<compile_context>
chip_gen: v7x
topology: tpu7x:2x2x1
jax: 0.10.2.dev20260603
libtpu: 0.0.44.dev20260713+nightly
codegen_flags: <defaults>
</compile_context>

<pallas_src>
import functools

import jax
import jax.numpy as jnp
from jax import lax
from jax.experimental import pallas as pl
from jax.experimental.pallas import tpu as pltpu
from jax.experimental.pallas import tpu_sc as plsc

N = 10000
E = 320000
D = 128

NC = 2
NS = 16
NW = NC * NS
CH = 128
NCHUNK = 80
EPT = NCHUNK * CH
EP = EPT * NW
NPH = 2
HALF = NCHUNK // NPH
NP = 10240
RPT = NP // NS

def _segsum_body(h_hbm, edge_hbm, zeros_hbm, out_hbm,
                 src_v, dst_v, rows0_v, rows1_v, aggr_sh, gsem0, gsem1):
    c = lax.axis_index("c")
    s = lax.axis_index("s")
    wid = c * NS + s

    pltpu.sync_copy(zeros_hbm, aggr_sh.at[pl.ds(s * RPT, RPT)])
    plsc.subcore_barrier()

    for ph in range(NPH):
        base = pl.multiple_of(wid * NCHUNK + ph * HALF, 8)
        pltpu.sync_copy(edge_hbm.at[0, pl.ds(base, HALF)], src_v)
        pltpu.sync_copy(edge_hbm.at[1, pl.ds(base, HALF)], dst_v)
        pltpu.async_copy(h_hbm.at[src_v.at[0]], rows0_v, gsem0)
        pltpu.async_copy(h_hbm.at[src_v.at[1]], rows1_v, gsem1)

        def body(k, carry):
            j = 2 * k
            pltpu.make_async_copy(h_hbm.at[src_v.at[j]], rows0_v, gsem0).wait()
            pltpu.sync_copy(rows0_v, aggr_sh.at[dst_v.at[j]], add=True)

            @pl.when(j + 2 < HALF)
            def _():
                pltpu.async_copy(h_hbm.at[src_v.at[j + 2]], rows0_v, gsem0)

            pltpu.make_async_copy(h_hbm.at[src_v.at[j + 1]], rows1_v, gsem1).wait()
            pltpu.sync_copy(rows1_v, aggr_sh.at[dst_v.at[j + 1]], add=True)

            @pl.when(j + 3 < HALF)
            def _():
                pltpu.async_copy(h_hbm.at[src_v.at[j + 3]], rows1_v, gsem1)

            return carry

        lax.fori_loop(0, HALF // 2, body, 0)

    plsc.subcore_barrier()
    pltpu.sync_copy(aggr_sh.at[pl.ds(s * RPT, RPT)],
                    out_hbm.at[c, pl.ds(s * RPT, RPT)])


@functools.cache
def _segsum_sc():
    mesh = plsc.VectorSubcoreMesh(core_axis_name="c", subcore_axis_name="s",
                                  num_cores=NC, num_subcores=NS)
    return pl.kernel(
        _segsum_body,
        out_type=jax.ShapeDtypeStruct((NC, NP, D), jnp.float32),
        mesh=mesh,
        scratch_types=[
            pltpu.VMEM((HALF, CH), jnp.int32),
            pltpu.VMEM((HALF, CH), jnp.int32),
            pltpu.VMEM((CH, D), jnp.float32),
            pltpu.VMEM((CH, D), jnp.float32),
            pltpu.VMEM_SHARED((NP, D), jnp.float32),
            pltpu.SemaphoreType.DMA,
            pltpu.SemaphoreType.DMA,
        ],
    )


def _ln(t, g, b):
    m = jnp.mean(t, axis=-1, keepdims=True)
    v = jnp.mean((t - m) ** 2, axis=-1, keepdims=True)
    return (t - m) * lax.rsqrt(v + 1e-5) * g + b


_V_EPS, _V_BO, _V_BFF = 0, 1, 2
_V_LN1G, _V_LN1B, _V_LN2G, _V_LN2B = 3, 4, 5, 6
_V_ANFG, _V_ANFB, _V_OUTG, _V_OUTB = 7, 8, 9, 10
_NV = 11

_BLK = 2000


def _tc_body(h_ref, pa_ref, pb_ref, wv_ref, wo_ref, wff_ref, vec_ref,
             wa_ref, wb_ref, hout_ref, sacc_ref):
    V = vec_ref[...]

    def row(i):
        return V[i:i + 1, :]

    h = h_ref[...]
    hn = h * (1.0 + row(_V_EPS)) + pa_ref[0] + pb_ref[0]
    hp = jax.lax.Precision.HIGHEST
    wvo = jnp.dot(wv_ref[...], wo_ref[...],
                  preferred_element_type=jnp.float32, precision=hp)
    o = jnp.dot(hn, wvo, preferred_element_type=jnp.float32,
                precision=hp) + row(_V_BO)
    h1 = _ln(hn + o, row(_V_LN1G), row(_V_LN1B))
    ff = jnp.maximum(
        jnp.dot(h1, wff_ref[...], preferred_element_type=jnp.float32,
                precision=hp)
        + row(_V_BFF), 0.0)
    h2 = _ln(h1 + ff, row(_V_LN2G), row(_V_LN2B))
    h3 = jnp.maximum(_ln(h2, row(_V_ANFG), row(_V_ANFB)), 0.0)
    h4 = jnp.maximum(_ln(h3, row(_V_OUTG), row(_V_OUTB)), 0.0)
    hout_ref[...] = h4

    part = (jnp.sum(jnp.dot(h, wa_ref[...],
                            preferred_element_type=jnp.float32, precision=hp))
            + jnp.sum(jnp.dot(h4, wb_ref[...],
                              preferred_element_type=jnp.float32, precision=hp)))

    @pl.when(pl.program_id(0) == 0)
    def _():
        sacc_ref[...] = jnp.zeros_like(sacc_ref)

    sacc_ref[...] += jnp.reshape(part, (1, 1))


_tc_layer = pl.pallas_call(
    _tc_body,
    grid=(N // _BLK,),
    in_specs=[
        pl.BlockSpec((_BLK, D), lambda i: (i, 0)),
        pl.BlockSpec((1, _BLK, D), lambda i: (0, i, 0)),
        pl.BlockSpec((1, _BLK, D), lambda i: (1, i, 0)),
        pl.BlockSpec((D, D), lambda i: (0, 0)),
        pl.BlockSpec((D, D), lambda i: (0, 0)),
        pl.BlockSpec((D, D), lambda i: (0, 0)),
        pl.BlockSpec((_NV, D), lambda i: (0, 0)),
        pl.BlockSpec((D, 1), lambda i: (0, 0)),
        pl.BlockSpec((D, 1), lambda i: (0, 0)),
    ],
    out_specs=[
        pl.BlockSpec((_BLK, D), lambda i: (i, 0)),
        pl.BlockSpec((1, 1), lambda i: (0, 0)),
    ],
    out_shape=[
        jax.ShapeDtypeStruct((N, D), jnp.float32),
        jax.ShapeDtypeStruct((1, 1), jnp.float32),
    ],
    compiler_params=pltpu.CompilerParams(
        dimension_semantics=("arbitrary",)),
)


def kernel(x, edge_index, params):
    ar = jnp.arange(EP - E, dtype=jnp.int32)
    pad = jnp.stack([ar % N, N + (ar % (NP - N))])
    edge_r = jnp.concatenate([edge_index, pad], axis=1).reshape(2, EP // CH, CH)
    zeros = jnp.zeros((RPT, D), jnp.float32)
    wzero = jnp.zeros((D, 1), jnp.float32)

    h = x
    saccs = []
    for l in range(2):
        p = params['gin%d' % l]
        wa = params['pred0']['W'] if l == 0 else wzero
        wb = params['pred%d' % (l + 1)]['W']
        vecs = jnp.stack([
            jnp.broadcast_to(p['eps'], (D,)), p['bo'], p['bff'],
            p['ln1_g'], p['ln1_b'], p['ln2_g'], p['ln2_b'],
            p['anf_g'], p['anf_b'], p['out_g'], p['out_b'],
        ])
        aggr2 = _segsum_sc()(h, edge_r, zeros)
        h, sacc = _tc_layer(h, aggr2, aggr2, p['Wv'], p['Wo'], p['Wff'],
                            vecs, wa, wb)
        saccs.append(sacc)

    score = (saccs[0].reshape((1,)) + saccs[1].reshape((1,))
             + params['pred0']['b'] + params['pred1']['b']
             + params['pred2']['b'])
    return score

# --- scband reference (transcript-rebuilt; emitter-appended) ---
"""Pipeline reference for scband-nested-gin-66151086293455 (READ-ONLY COPY).

The authoritative reference and input builder live on the scoring server;
editing this copy changes nothing except your own understanding.
"""

import jax, jax.numpy as jnp
import numpy as np

N = 10000
E = 320000
D = 128
NH = 4
DH = D // NH
S = 1


def _layer_norm(x, g, b):
    m = jnp.mean(x, axis=-1, keepdims=True)
    v = jnp.mean((x - m) ** 2, axis=-1, keepdims=True)
    return (x - m) / jnp.sqrt(v + 1e-5) * g + b


def _mab(x, p):
    # Set-transformer multi-head attention block (SAB with x as q,k,v).
    n, s, d = x.shape

    def split(t):
        return t.reshape(n, s, NH, DH).transpose(0, 2, 1, 3)

    q = split(x @ p['Wq'])
    k = split(x @ p['Wk'])
    v = split(x @ p['Wv'])
    att = jax.nn.softmax((q @ k.transpose(0, 1, 3, 2)) / np.float32(np.sqrt(DH)), axis=-1)
    o = (att @ v).transpose(0, 2, 1, 3).reshape(n, s, d)
    o = o @ p['Wo'] + p['bo']
    h = _layer_norm(x + o, p['ln1_g'], p['ln1_b'])
    ff = jax.nn.relu(h @ p['Wff'] + p['bff'])
    return _layer_norm(h + ff, p['ln2_g'], p['ln2_b'])


def _forward(x, edge_index, params):
    # g.ndata['feat'] -> view(N, -1, input_dim)
    h = x.reshape(N, S, D)
    src = edge_index[0]
    dst = edge_index[1]
    hidden = [h]
    for l in range(2):  # num_layers - 1 GIN layers
        p = params['gin%d' % l]
        # GINConv: sum-aggregate neighbor messages via gather + scatter-add
        aggr = jax.ops.segment_sum(h[src], dst, num_segments=N)
        hn = (1.0 + p['eps']) * h + aggr
        # ApplyNodeFunc: SAB -> LayerNorm -> ReLU
        hn = _mab(hn, p)
        hn = jax.nn.relu(_layer_norm(hn, p['anf_g'], p['anf_b']))
        # outer LayerNorm + ReLU in NestedGIN.forward
        hn = jax.nn.relu(_layer_norm(hn, p['out_g'], p['out_b']))
        h = hn
        hidden.append(h)
    score = jnp.zeros((S,), jnp.float32)
    for i, hh in enumerate(hidden):
        pooled = jnp.sum(hh, axis=0)  # SumPooling over nodes (single graph)
        pp = params['pred%d' % i]
        score = score + (pooled @ pp['W'] + pp['b']).squeeze(-1)
    return score


def setup_inputs(seed: int = 0):
    key = jax.random.key(seed)
    ks = jax.random.split(key, 40)
    x = jax.random.normal(ks[0], (N, D), dtype=jnp.float32)
    edge_index = jax.random.randint(ks[1], (2, E), 0, N, dtype=jnp.int32)

    def dense(k, i, o):
        return (jax.random.normal(k, (i, o), dtype=jnp.float32) / np.sqrt(i)).astype(jnp.float32)

    params = {}
    ki = 2
    for l in range(2):
        sub = {
            'eps': jnp.zeros((), jnp.float32),
            'Wq': dense(ks[ki + 0], D, D),
            'Wk': dense(ks[ki + 1], D, D),
            'Wv': dense(ks[ki + 2], D, D),
            'Wo': dense(ks[ki + 3], D, D),
            'bo': jnp.zeros((D,), jnp.float32),
            'Wff': dense(ks[ki + 4], D, D),
            'bff': jnp.zeros((D,), jnp.float32),
            'ln1_g': jnp.ones((D,), jnp.float32), 'ln1_b': jnp.zeros((D,), jnp.float32),
            'ln2_g': jnp.ones((D,), jnp.float32), 'ln2_b': jnp.zeros((D,), jnp.float32),
            'anf_g': jnp.ones((D,), jnp.float32), 'anf_b': jnp.zeros((D,), jnp.float32),
            'out_g': jnp.ones((D,), jnp.float32), 'out_b': jnp.zeros((D,), jnp.float32),
        }
        params['gin%d' % l] = sub
        ki += 5
    for i in range(3):
        params['pred%d' % i] = {'W': dense(ks[ki], D, 1), 'b': jnp.zeros((1,), jnp.float32)}
        ki += 1
    return {'x': x, 'edge_index': edge_index, 'params': params}


def reference(x, edge_index, params):
    return _forward(x, edge_index, params)

if __name__ == "__main__":
    import jax
    _d = setup_inputs()
    print(jax.jit(kernel)(*tuple(_d.values())))

</pallas_src>

<mosaic_0001>
#map = affine_map<(d0, d1) -> (0, 0)>
#map1 = affine_map<(d0, d1) -> (0, 0, 0)>
module attributes {stable_mosaic.version = 14 : i64} {
  func.func @_segsum_body(%arg0: i32, %arg1: i32, %arg2: memref<10000x128xf32, #tpu.memory_space<hbm>>, %arg3: memref<2x2560x128xi32, #tpu.memory_space<hbm>>, %arg4: memref<640x128xf32, #tpu.memory_space<hbm>>, %arg5: memref<2x10240x128xf32, #tpu.memory_space<hbm>>, %arg6: memref<40x128xi32, #tpu.memory_space<vmem>>, %arg7: memref<40x128xi32, #tpu.memory_space<vmem>>, %arg8: memref<128x128xf32, #tpu.memory_space<vmem>>, %arg9: memref<128x128xf32, #tpu.memory_space<vmem>>, %arg10: memref<10240x128xf32, #tpu.memory_space<vmem_shared>>, %arg11: memref<!tpu.dma_semaphore, #tpu.memory_space<semaphore_mem>>, %arg12: memref<!tpu.dma_semaphore, #tpu.memory_space<semaphore_mem>>) attributes {dimension_semantics = [#tpu.dimension_semantics<core_parallel>, #tpu.dimension_semantics<subcore_parallel>], iteration_bounds = array<i64: 2, 16>, scalar_prefetch = 0 : i64, scratch_operands = 7 : i64, tpu.core_type = #tpu.core_type<sc_vector_subcore>, window_params = [{transform_indices = #map}, {transform_indices = #map1}, {transform_indices = #map}, {transform_indices = #map1}]} {
    %mul3A = arith.constant 16 : i32
    %mul3A_0 = arith.muli %arg0, %mul3A : i32
    %add3A = arith.addi %mul3A_0, %arg1 : i32
    %mul3A_1 = arith.constant 640 : i32
    %mul3A_2 = arith.muli %arg1, %mul3A_1 : i32
    "tpu.region"() ({
      %run_scoped3A_58 = tpu.sem_alloc : memref<!tpu.dma_semaphore, #tpu.memory_space<semaphore_mem>>
      %dma_start3A_59 = arith.constant 0 : i32
      %dma_start3A_60 = tpu.memref_slice %arg10[%mul3A_2, %dma_start3A_59] : memref<10240x128xf32, #tpu.memory_space<vmem_shared>> -> memref<640x128xf32, #tpu.memory_space<vmem_shared>>
      tpu.enqueue_dma source(%arg4 : memref<640x128xf32, #tpu.memory_space<hbm>>) target(%dma_start3A_60 : memref<640x128xf32, #tpu.memory_space<vmem_shared>>) target_semaphore(%run_scoped3A_58 : memref<!tpu.dma_semaphore, #tpu.memory_space<semaphore_mem>>)
      %dma_wait3A = arith.constant 0 : i32
      %dma_wait3A_61 = tpu.memref_slice %arg10[%mul3A_2, %dma_wait3A] : memref<10240x128xf32, #tpu.memory_space<vmem_shared>> -> memref<640x128xf32, #tpu.memory_space<vmem_shared>>
      tpu.wait_dma2 semaphore(%run_scoped3A_58 : memref<!tpu.dma_semaphore, #tpu.memory_space<semaphore_mem>>) src(%arg4 : memref<640x128xf32, #tpu.memory_space<hbm>>) dst(%dma_wait3A_61 : memref<640x128xf32, #tpu.memory_space<vmem_shared>>)
      tpu.yield
    }) : () -> ()
    %barrier3A = arith.constant 0 : index
    tpu.barrier barrier_id(%barrier3A)
    %mul3A_3 = arith.constant 80 : i32
    %mul3A_4 = arith.muli %add3A, %mul3A_3 : i32
    %add3A_5 = arith.constant 0 : i32
    %add3A_6 = arith.addi %mul3A_4, %add3A_5 : i32
    %multiple_of3A = tpu.assume_multiple %add3A_6, 8 : i32
    %run_scoped3A = arith.constant 0 : i32
    "tpu.region"() ({
      %run_scoped3A_58 = tpu.sem_alloc : memref<!tpu.dma_semaphore, #tpu.memory_space<semaphore_mem>>
      %dma_start3A_59 = arith.constant 0 : i32
      %dma_start3A_60 = tpu.memref_slice %arg3[%run_scoped3A, %multiple_of3A, %dma_start3A_59] : memref<2x2560x128xi32, #tpu.memory_space<hbm>> -> memref<1x40x128xi32, #tpu.memory_space<hbm>>
      %dma_start3A_61 = tpu.memref_squeeze %dma_start3A_60 : memref<1x40x128xi32, #tpu.memory_space<hbm>> -> memref<40x128xi32, #tpu.memory_space<hbm>>
      %dma_start3A_62 = arith.constant 0 : i32
      %dma_start3A_63 = tpu.memref_slice %arg3[%run_scoped3A, %multiple_of3A, %dma_start3A_62] : memref<2x2560x128xi32, #tpu.memory_space<hbm>> -> memref<1x40x128xi32, #tpu.memory_space<hbm>>
      %dma_start3A_64 = tpu.memref_squeeze %dma_start3A_63 : memref<1x40x128xi32, #tpu.memory_space<hbm>> -> memref<40x128xi32, #tpu.memory_space<hbm>>
      tpu.enqueue_dma source(%dma_start3A_64 : memref<40x128xi32, #tpu.memory_space<hbm>>) target(%arg6 : memref<40x128xi32, #tpu.memory_space<vmem>>) target_semaphore(%run_scoped3A_58 : memref<!tpu.dma_semaphore, #tpu.memory_space<semaphore_mem>>)
      %dma_wait3A = arith.constant 0 : i32
      %dma_wait3A_65 = tpu.memref_slice %arg3[%run_scoped3A, %multiple_of3A, %dma_wait3A] : memref<2x2560x128xi32, #tpu.memory_space<hbm>> -> memref<1x40x128xi32, #tpu.memory_space<hbm>>
      %dma_wait3A_66 = tpu.memref_squeeze %dma_wait3A_65 : memref<1x40x128xi32, #tpu.memory_space<hbm>> -> memref<40x128xi32, #tpu.memory_space<hbm>>
      %dma_wait3A_67 = arith.constant 0 : i32
      %dma_wait3A_68 = tpu.memref_slice %arg3[%run_scoped3A, %multiple_of3A, %dma_wait3A_67] : memref<2x2560x128xi32, #tpu.memory_space<hbm>> -> memref<1x40x128xi32, #tpu.memory_space<hbm>>
      %dma_wait3A_69 = tpu.memref_squeeze %dma_wait3A_68 : memref<1x40x128xi32, #tpu.memory_space<hbm>> -> memref<40x128xi32, #tpu.memory_space<hbm>>
      tpu.wait_dma2 semaphore(%run_scoped3A_58 : memref<!tpu.dma_semaphore, #tpu.memory_space<semaphore_mem>>) src(%dma_wait3A_69 : memref<40x128xi32, #tpu.memory_space<hbm>>) dst(%arg6 : memref<40x128xi32, #tpu.memory_space<vmem>>)
      tpu.yield
    }) : () -> ()
    %run_scoped3A_7 = arith.constant 1 : i32
    "tpu.region"() ({
      %run_scoped3A_58 = tpu.sem_alloc : memref<!tpu.dma_semaphore, #tpu.memory_space<semaphore_mem>>
      %dma_start3A_59 = arith.constant 0 : i32
      %dma_start3A_60 = tpu.memref_slice %arg3[%run_scoped3A_7, %multiple_of3A, %dma_start3A_59] : memref<2x2560x128xi32, #tpu.memory_space<hbm>> -> memref<1x40x128xi32, #tpu.memory_space<hbm>>
      %dma_start3A_61 = tpu.memref_squeeze %dma_start3A_60 : memref<1x40x128xi32, #tpu.memory_space<hbm>> -> memref<40x128xi32, #tpu.memory_space<hbm>>
      %dma_start3A_62 = arith.constant 0 : i32
      %dma_start3A_63 = tpu.memref_slice %arg3[%run_scoped3A_7, %multiple_of3A, %dma_start3A_62] : memref<2x2560x128xi32, #tpu.memory_space<hbm>> -> memref<1x40x128xi32, #tpu.memory_space<hbm>>
      %dma_start3A_64 = tpu.memref_squeeze %dma_start3A_63 : memref<1x40x128xi32, #tpu.memory_space<hbm>> -> memref<40x128xi32, #tpu.memory_space<hbm>>
      tpu.enqueue_dma source(%dma_start3A_64 : memref<40x128xi32, #tpu.memory_space<hbm>>) target(%arg7 : memref<40x128xi32, #tpu.memory_space<vmem>>) target_semaphore(%run_scoped3A_58 : memref<!tpu.dma_semaphore, #tpu.memory_space<semaphore_mem>>)
      %dma_wait3A = arith.constant 0 : i32
      %dma_wait3A_65 = tpu.memref_slice %arg3[%run_scoped3A_7, %multiple_of3A, %dma_wait3A] : memref<2x2560x128xi32, #tpu.memory_space<hbm>> -> memref<1x40x128xi32, #tpu.memory_space<hbm>>
      %dma_wait3A_66 = tpu.memref_squeeze %dma_wait3A_65 : memref<1x40x128xi32, #tpu.memory_space<hbm>> -> memref<40x128xi32, #tpu.memory_space<hbm>>
      %dma_wait3A_67 = arith.constant 0 : i32
      %dma_wait3A_68 = tpu.memref_slice %arg3[%run_scoped3A_7, %multiple_of3A, %dma_wait3A_67] : memref<2x2560x128xi32, #tpu.memory_space<hbm>> -> memref<1x40x128xi32, #tpu.memory_space<hbm>>
      %dma_wait3A_69 = tpu.memref_squeeze %dma_wait3A_68 : memref<1x40x128xi32, #tpu.memory_space<hbm>> -> memref<40x128xi32, #tpu.memory_space<hbm>>
      tpu.wait_dma2 semaphore(%run_scoped3A_58 : memref<!tpu.dma_semaphore, #tpu.memory_space<semaphore_mem>>) src(%dma_wait3A_69 : memref<40x128xi32, #tpu.memory_space<hbm>>) dst(%arg7 : memref<40x128xi32, #tpu.memory_space<vmem>>)
      tpu.yield
    }) : () -> ()
    %dma_start3A = arith.constant 0 : i32
    %dma_start3A_8 = arith.constant 0 : i32
    %dma_start3A_9 = tpu.memref_slice %arg6[%dma_start3A, %dma_start3A_8] : memref<40x128xi32, #tpu.memory_space<vmem>> -> memref<1x128xi32, #tpu.memory_space<vmem>>
    %dma_start3A_10 = tpu.memref_squeeze %dma_start3A_9 : memref<1x128xi32, #tpu.memory_space<vmem>> -> memref<128xi32, #tpu.memory_space<vmem>>
    %dma_start3A_11 = arith.constant 0 : i32
    %dma_start3A_12 = arith.constant 0 : i32
    %dma_start3A_13 = tpu.memref_slice %arg2[%dma_start3A_11, %dma_start3A_12] : memref<10000x128xf32, #tpu.memory_space<hbm>> -> memref<10000x128xf32, #tpu.memory_space<hbm>>
    tpu.enqueue_indirect_dma source(%dma_start3A_13 : memref<10000x128xf32, #tpu.memory_space<hbm>>) target(%arg8 : memref<128x128xf32, #tpu.memory_space<vmem>>) offsets(%dma_start3A_10 : memref<128xi32, #tpu.memory_space<vmem>>) semaphore(%arg11 : memref<!tpu.dma_semaphore, #tpu.memory_space<semaphore_mem>>)
    %dma_start3A_14 = arith.constant 1 : i32
    %dma_start3A_15 = arith.constant 0 : i32
    %dma_start3A_16 = tpu.memref_slice %arg6[%dma_start3A_14, %dma_start3A_15] : memref<40x128xi32, #tpu.memory_space<vmem>> -> memref<1x128xi32, #tpu.memory_space<vmem>>
    %dma_start3A_17 = tpu.memref_squeeze %dma_start3A_16 : memref<1x128xi32, #tpu.memory_space<vmem>> -> memref<128xi32, #tpu.memory_space<vmem>>
    %dma_start3A_18 = arith.constant 0 : i32
    %dma_start3A_19 = arith.constant 0 : i32
    %dma_start3A_20 = tpu.memref_slice %arg2[%dma_start3A_18, %dma_start3A_19] : memref<10000x128xf32, #tpu.memory_space<hbm>> -> memref<10000x128xf32, #tpu.memory_space<hbm>>
    tpu.enqueue_indirect_dma source(%dma_start3A_20 : memref<10000x128xf32, #tpu.memory_space<hbm>>) target(%arg9 : memref<128x128xf32, #tpu.memory_space<vmem>>) offsets(%dma_start3A_17 : memref<128xi32, #tpu.memory_space<vmem>>) semaphore(%arg12 : memref<!tpu.dma_semaphore, #tpu.memory_space<semaphore_mem>>)
    %scan3A = arith.constant 0 : i32
    %scan3A_21 = arith.constant 0 : i32
    %scan3A_22 = arith.constant 20 : i32
    %scan3A_23 = arith.addi %scan3A_21, %scan3A_22 : i32
    %scan3A_24 = arith.constant 1 : i32
    scf.for %scan3A_58 = %scan3A_21 to %scan3A_23 step %scan3A_24  : i32 {
      %mul3A_59 = arith.constant 2 : i32
      %mul3A_60 = arith.muli %mul3A_59, %scan3A_58 : i32
      %dma_wait3A = arith.constant 0 : i32
      %dma_wait3A_61 = tpu.memref_slice %arg6[%mul3A_60, %dma_wait3A] : memref<40x128xi32, #tpu.memory_space<vmem>> -> memref<1x128xi32, #tpu.memory_space<vmem>>
      %dma_wait3A_62 = tpu.memref_squeeze %dma_wait3A_61 : memref<1x128xi32, #tpu.memory_space<vmem>> -> memref<128xi32, #tpu.memory_space<vmem>>
      %dma_wait3A_63 = arith.constant 0 : i32
      %dma_wait3A_64 = arith.constant 0 : i32
      %dma_wait3A_65 = tpu.memref_slice %arg2[%dma_wait3A_63, %dma_wait3A_64] : memref<10000x128xf32, #tpu.memory_space<hbm>> -> memref<10000x128xf32, #tpu.memory_space<hbm>>
      tpu.wait_indirect_dma semaphore(%arg11 : memref<!tpu.dma_semaphore, #tpu.memory_space<semaphore_mem>>) src(%dma_wait3A_65 : memref<10000x128xf32, #tpu.memory_space<hbm>>) dst(%arg8 : memref<128x128xf32, #tpu.memory_space<vmem>>)
      "tpu.region"() ({
        %run_scoped3A_87 = tpu.sem_alloc : memref<!tpu.dma_semaphore, #tpu.memory_space<semaphore_mem>>
        %dma_start3A_88 = arith.constant 0 : i32
        %dma_start3A_89 = tpu.memref_slice %arg7[%mul3A_60, %dma_start3A_88] : memref<40x128xi32, #tpu.memory_space<vmem>> -> memref<1x128xi32, #tpu.memory_space<vmem>>
        %dma_start3A_90 = tpu.memref_squeeze %dma_start3A_89 : memref<1x128xi32, #tpu.memory_space<vmem>> -> memref<128xi32, #tpu.memory_space<vmem>>
        %dma_start3A_91 = arith.constant 0 : i32
        %dma_start3A_92 = arith.constant 0 : i32
        %dma_start3A_93 = tpu.memref_slice %arg10[%dma_start3A_91, %dma_start3A_92] : memref<10240x128xf32, #tpu.memory_space<vmem_shared>> -> memref<10240x128xf32, #tpu.memory_space<vmem_shared>>
        tpu.enqueue_indirect_dma source(%arg8 : memref<128x128xf32, #tpu.memory_space<vmem>>) target(%dma_start3A_93 : memref<10240x128xf32, #tpu.memory_space<vmem_shared>>) offsets(%dma_start3A_90 : memref<128xi32, #tpu.memory_space<vmem>>) semaphore(%run_scoped3A_87 : memref<!tpu.dma_semaphore, #tpu.memory_space<semaphore_mem>>) {add = true}
        %dma_wait3A_94 = arith.constant 0 : i32
        %dma_wait3A_95 = tpu.memref_slice %arg7[%mul3A_60, %dma_wait3A_94] : memref<40x128xi32, #tpu.memory_space<vmem>> -> memref<1x128xi32, #tpu.memory_space<vmem>>
        %dma_wait3A_96 = tpu.memref_squeeze %dma_wait3A_95 : memref<1x128xi32, #tpu.memory_space<vmem>> -> memref<128xi32, #tpu.memory_space<vmem>>
        %dma_wait3A_97 = arith.constant 0 : i32
        %dma_wait3A_98 = arith.constant 0 : i32
        %dma_wait3A_99 = tpu.memref_slice %arg10[%dma_wait3A_97, %dma_wait3A_98] : memref<10240x128xf32, #tpu.memory_space<vmem_shared>> -> memref<10240x128xf32, #tpu.memory_space<vmem_shared>>
        tpu.wait_indirect_dma semaphore(%run_scoped3A_87 : memref<!tpu.dma_semaphore, #tpu.memory_space<semaphore_mem>>) src(%arg8 : memref<128x128xf32, #tpu.memory_space<vmem>>) dst(%dma_wait3A_99 : memref<10240x128xf32, #tpu.memory_space<vmem_shared>>)
        tpu.yield
      }) : () -> ()
      %add3A_66 = arith.constant 2 : i32
      %add3A_67 = arith.addi %mul3A_60, %add3A_66 : i32
      %lt3A = arith.constant 40 : i32
      %lt3A_68 = arith.cmpi slt, %add3A_67, %lt3A : i32
      %convert_element_type3A = arith.extui %lt3A_68 : i1 to i32
      %cond3A = arith.constant 0 : i32
      %cond3A_69 = arith.cmpi ne, %convert_element_type3A, %cond3A : i32
      scf.if %cond3A_69 {
        %add3A_87 = arith.constant 2 : i32
        %add3A_88 = arith.addi %mul3A_60, %add3A_87 : i32
        %dma_start3A_89 = arith.constant 0 : i32
        %dma_start3A_90 = tpu.memref_slice %arg6[%add3A_88, %dma_start3A_89] : memref<40x128xi32, #tpu.memory_space<vmem>> -> memref<1x128xi32, #tpu.memory_space<vmem>>
        %dma_start3A_91 = tpu.memref_squeeze %dma_start3A_90 : memref<1x128xi32, #tpu.memory_space<vmem>> -> memref<128xi32, #tpu.memory_space<vmem>>
        %dma_start3A_92 = arith.constant 0 : i32
        %dma_start3A_93 = arith.constant 0 : i32
        %dma_start3A_94 = tpu.memref_slice %arg2[%dma_start3A_92, %dma_start3A_93] : memref<10000x128xf32, #tpu.memory_space<hbm>> -> memref<10000x128xf32, #tpu.memory_space<hbm>>
        tpu.enqueue_indirect_dma source(%dma_start3A_94 : memref<10000x128xf32, #tpu.memory_space<hbm>>) target(%arg8 : memref<128x128xf32, #tpu.memory_space<vmem>>) offsets(%dma_start3A_91 : memref<128xi32, #tpu.memory_space<vmem>>) semaphore(%arg11 : memref<!tpu.dma_semaphore, #tpu.memory_space<semaphore_mem>>)
      } else {
      }
      %add3A_70 = arith.constant 1 : i32
      %add3A_71 = arith.addi %mul3A_60, %add3A_70 : i32
      %dma_wait3A_72 = arith.constant 0 : i32
      %dma_wait3A_73 = tpu.memref_slice %arg6[%add3A_71, %dma_wait3A_72] : memref<40x128xi32, #tpu.memory_space<vmem>> -> memref<1x128xi32, #tpu.memory_space<vmem>>
      %dma_wait3A_74 = tpu.memref_squeeze %dma_wait3A_73 : memref<1x128xi32, #tpu.memory_space<vmem>> -> memref<128xi32, #tpu.memory_space<vmem>>
      %dma_wait3A_75 = arith.constant 0 : i32
      %dma_wait3A_76 = arith.constant 0 : i32
      %dma_wait3A_77 = tpu.memref_slice %arg2[%dma_wait3A_75, %dma_wait3A_76] : memref<10000x128xf32, #tpu.memory_space<hbm>> -> memref<10000x128xf32, #tpu.memory_space<hbm>>
      tpu.wait_indirect_dma semaphore(%arg12 : memref<!tpu.dma_semaphore, #tpu.memory_space<semaphore_mem>>) src(%dma_wait3A_77 : memref<10000x128xf32, #tpu.memory_space<hbm>>) dst(%arg9 : memref<128x128xf32, #tpu.memory_space<vmem>>)
      %add3A_78 = arith.constant 1 : i32
      %add3A_79 = arith.addi %mul3A_60, %add3A_78 : i32
      "tpu.region"() ({
        %run_scoped3A_87 = tpu.sem_alloc : memref<!tpu.dma_semaphore, #tpu.memory_space<semaphore_mem>>
        %dma_start3A_88 = arith.constant 0 : i32
        %dma_start3A_89 = tpu.memref_slice %arg7[%add3A_79, %dma_start3A_88] : memref<40x128xi32, #tpu.memory_space<vmem>> -> memref<1x128xi32, #tpu.memory_space<vmem>>
        %dma_start3A_90 = tpu.memref_squeeze %dma_start3A_89 : memref<1x128xi32, #tpu.memory_space<vmem>> -> memref<128xi32, #tpu.memory_space<vmem>>
        %dma_start3A_91 = arith.constant 0 : i32
        %dma_start3A_92 = arith.constant 0 : i32
        %dma_start3A_93 = tpu.memref_slice %arg10[%dma_start3A_91, %dma_start3A_92] : memref<10240x128xf32, #tpu.memory_space<vmem_shared>> -> memref<10240x128xf32, #tpu.memory_space<vmem_shared>>
        tpu.enqueue_indirect_dma source(%arg9 : memref<128x128xf32, #tpu.memory_space<vmem>>) target(%dma_start3A_93 : memref<10240x128xf32, #tpu.memory_space<vmem_shared>>) offsets(%dma_start3A_90 : memref<128xi32, #tpu.memory_space<vmem>>) semaphore(%run_scoped3A_87 : memref<!tpu.dma_semaphore, #tpu.memory_space<semaphore_mem>>) {add = true}
        %dma_wait3A_94 = arith.constant 0 : i32
        %dma_wait3A_95 = tpu.memref_slice %arg7[%add3A_79, %dma_wait3A_94] : memref<40x128xi32, #tpu.memory_space<vmem>> -> memref<1x128xi32, #tpu.memory_space<vmem>>
        %dma_wait3A_96 = tpu.memref_squeeze %dma_wait3A_95 : memref<1x128xi32, #tpu.memory_space<vmem>> -> memref<128xi32, #tpu.memory_space<vmem>>
        %dma_wait3A_97 = arith.constant 0 : i32
        %dma_wait3A_98 = arith.constant 0 : i32
        %dma_wait3A_99 = tpu.memref_slice %arg10[%dma_wait3A_97, %dma_wait3A_98] : memref<10240x128xf32, #tpu.memory_space<vmem_shared>> -> memref<10240x128xf32, #tpu.memory_space<vmem_shared>>
        tpu.wait_indirect_dma semaphore(%run_scoped3A_87 : memref<!tpu.dma_semaphore, #tpu.memory_space<semaphore_mem>>) src(%arg9 : memref<128x128xf32, #tpu.memory_space<vmem>>) dst(%dma_wait3A_99 : memref<10240x128xf32, #tpu.memory_space<vmem_shared>>)
        tpu.yield
      }) : () -> ()
      %add3A_80 = arith.constant 3 : i32
      %add3A_81 = arith.addi %mul3A_60, %add3A_80 : i32
      %lt3A_82 = arith.constant 40 : i32
      %lt3A_83 = arith.cmpi slt, %add3A_81, %lt3A_82 : i32
      %convert_element_type3A_84 = arith.extui %lt3A_83 : i1 to i32
      %cond3A_85 = arith.constant 0 : i32
      %cond3A_86 = arith.cmpi ne, %convert_element_type3A_84, %cond3A_85 : i32
      scf.if %cond3A_86 {
        %add3A_87 = arith.constant 3 : i32
        %add3A_88 = arith.addi %mul3A_60, %add3A_87 : i32
        %dma_start3A_89 = arith.constant 0 : i32
        %dma_start3A_90 = tpu.memref_slice %arg6[%add3A_88, %dma_start3A_89] : memref<40x128xi32, #tpu.memory_space<vmem>> -> memref<1x128xi32, #tpu.memory_space<vmem>>
        %dma_start3A_91 = tpu.memref_squeeze %dma_start3A_90 : memref<1x128xi32, #tpu.memory_space<vmem>> -> memref<128xi32, #tpu.memory_space<vmem>>
        %dma_start3A_92 = arith.constant 0 : i32
        %dma_start3A_93 = arith.constant 0 : i32
        %dma_start3A_94 = tpu.memref_slice %arg2[%dma_start3A_92, %dma_start3A_93] : memref<10000x128xf32, #tpu.memory_space<hbm>> -> memref<10000x128xf32, #tpu.memory_space<hbm>>
        tpu.enqueue_indirect_dma source(%dma_start3A_94 : memref<10000x128xf32, #tpu.memory_space<hbm>>) target(%arg9 : memref<128x128xf32, #tpu.memory_space<vmem>>) offsets(%dma_start3A_91 : memref<128xi32, #tpu.memory_space<vmem>>) semaphore(%arg12 : memref<!tpu.dma_semaphore, #tpu.memory_space<semaphore_mem>>)
      } else {
      }
    }
    %scan3A_25 = arith.constant 20 : i32
    %mul3A_26 = arith.constant 80 : i32
    %mul3A_27 = arith.muli %add3A, %mul3A_26 : i32
    %add3A_28 = arith.constant 40 : i32
    %add3A_29 = arith.addi %mul3A_27, %add3A_28 : i32
    %multiple_of3A_30 = tpu.assume_multiple %add3A_29, 8 : i32
    %run_scoped3A_31 = arith.constant 0 : i32
    "tpu.region"() ({
      %run_scoped3A_58 = tpu.sem_alloc : memref<!tpu.dma_semaphore, #tpu.memory_space<semaphore_mem>>
      %dma_start3A_59 = arith.constant 0 : i32
      %dma_start3A_60 = tpu.memref_slice %arg3[%run_scoped3A_31, %multiple_of3A_30, %dma_start3A_59] : memref<2x2560x128xi32, #tpu.memory_space<hbm>> -> memref<1x40x128xi32, #tpu.memory_space<hbm>>
      %dma_start3A_61 = tpu.memref_squeeze %dma_start3A_60 : memref<1x40x128xi32, #tpu.memory_space<hbm>> -> memref<40x128xi32, #tpu.memory_space<hbm>>
      %dma_start3A_62 = arith.constant 0 : i32
      %dma_start3A_63 = tpu.memref_slice %arg3[%run_scoped3A_31, %multiple_of3A_30, %dma_start3A_62] : memref<2x2560x128xi32, #tpu.memory_space<hbm>> -> memref<1x40x128xi32, #tpu.memory_space<hbm>>
      %dma_start3A_64 = tpu.memref_squeeze %dma_start3A_63 : memref<1x40x128xi32, #tpu.memory_space<hbm>> -> memref<40x128xi32, #tpu.memory_space<hbm>>
      tpu.enqueue_dma source(%dma_start3A_64 : memref<40x128xi32, #tpu.memory_space<hbm>>) target(%arg6 : memref<40x128xi32, #tpu.memory_space<vmem>>) target_semaphore(%run_scoped3A_58 : memref<!tpu.dma_semaphore, #tpu.memory_space<semaphore_mem>>)
      %dma_wait3A = arith.constant 0 : i32
      %dma_wait3A_65 = tpu.memref_slice %arg3[%run_scoped3A_31, %multiple_of3A_30, %dma_wait3A] : memref<2x2560x128xi32, #tpu.memory_space<hbm>> -> memref<1x40x128xi32, #tpu.memory_space<hbm>>
      %dma_wait3A_66 = tpu.memref_squeeze %dma_wait3A_65 : memref<1x40x128xi32, #tpu.memory_space<hbm>> -> memref<40x128xi32, #tpu.memory_space<hbm>>
      %dma_wait3A_67 = arith.constant 0 : i32
      %dma_wait3A_68 = tpu.memref_slice %arg3[%run_scoped3A_31, %multiple_of3A_30, %dma_wait3A_67] : memref<2x2560x128xi32, #tpu.memory_space<hbm>> -> memref<1x40x128xi32, #tpu.memory_space<hbm>>
      %dma_wait3A_69 = tpu.memref_squeeze %dma_wait3A_68 : memref<1x40x128xi32, #tpu.memory_space<hbm>> -> memref<40x128xi32, #tpu.memory_space<hbm>>
      tpu.wait_dma2 semaphore(%run_scoped3A_58 : memref<!tpu.dma_semaphore, #tpu.memory_space<semaphore_mem>>) src(%dma_wait3A_69 : memref<40x128xi32, #tpu.memory_space<hbm>>) dst(%arg6 : memref<40x128xi32, #tpu.memory_space<vmem>>)
      tpu.yield
    }) : () -> ()
    %run_scoped3A_32 = arith.constant 1 : i32
    "tpu.region"() ({
      %run_scoped3A_58 = tpu.sem_alloc : memref<!tpu.dma_semaphore, #tpu.memory_space<semaphore_mem>>
      %dma_start3A_59 = arith.constant 0 : i32
      %dma_start3A_60 = tpu.memref_slice %arg3[%run_scoped3A_32, %multiple_of3A_30, %dma_start3A_59] : memref<2x2560x128xi32, #tpu.memory_space<hbm>> -> memref<1x40x128xi32, #tpu.memory_space<hbm>>
      %dma_start3A_61 = tpu.memref_squeeze %dma_start3A_60 : memref<1x40x128xi32, #tpu.memory_space<hbm>> -> memref<40x128xi32, #tpu.memory_space<hbm>>
      %dma_start3A_62 = arith.constant 0 : i32
      %dma_start3A_63 = tpu.memref_slice %arg3[%run_scoped3A_32, %multiple_of3A_30, %dma_start3A_62] : memref<2x2560x128xi32, #tpu.memory_space<hbm>> -> memref<1x40x128xi32, #tpu.memory_space<hbm>>
      %dma_start3A_64 = tpu.memref_squeeze %dma_start3A_63 : memref<1x40x128xi32, #tpu.memory_space<hbm>> -> memref<40x128xi32, #tpu.memory_space<hbm>>
      tpu.enqueue_dma source(%dma_start3A_64 : memref<40x128xi32, #tpu.memory_space<hbm>>) target(%arg7 : memref<40x128xi32, #tpu.memory_space<vmem>>) target_semaphore(%run_scoped3A_58 : memref<!tpu.dma_semaphore, #tpu.memory_space<semaphore_mem>>)
      %dma_wait3A = arith.constant 0 : i32
      %dma_wait3A_65 = tpu.memref_slice %arg3[%run_scoped3A_32, %multiple_of3A_30, %dma_wait3A] : memref<2x2560x128xi32, #tpu.memory_space<hbm>> -> memref<1x40x128xi32, #tpu.memory_space<hbm>>
      %dma_wait3A_66 = tpu.memref_squeeze %dma_wait3A_65 : memref<1x40x128xi32, #tpu.memory_space<hbm>> -> memref<40x128xi32, #tpu.memory_space<hbm>>
      %dma_wait3A_67 = arith.constant 0 : i32
      %dma_wait3A_68 = tpu.memref_slice %arg3[%run_scoped3A_32, %multiple_of3A_30, %dma_wait3A_67] : memref<2x2560x128xi32, #tpu.memory_space<hbm>> -> memref<1x40x128xi32, #tpu.memory_space<hbm>>
      %dma_wait3A_69 = tpu.memref_squeeze %dma_wait3A_68 : memref<1x40x128xi32, #tpu.memory_space<hbm>> -> memref<40x128xi32, #tpu.memory_space<hbm>>
      tpu.wait_dma2 semaphore(%run_scoped3A_58 : memref<!tpu.dma_semaphore, #tpu.memory_space<semaphore_mem>>) src(%dma_wait3A_69 : memref<40x128xi32, #tpu.memory_space<hbm>>) dst(%arg7 : memref<40x128xi32, #tpu.memory_space<vmem>>)
      tpu.yield
    }) : () -> ()
    %dma_start3A_33 = arith.constant 0 : i32
    %dma_start3A_34 = arith.constant 0 : i32
    %dma_start3A_35 = tpu.memref_slice %arg6[%dma_start3A_33, %dma_start3A_34] : memref<40x128xi32, #tpu.memory_space<vmem>> -> memref<1x128xi32, #tpu.memory_space<vmem>>
    %dma_start3A_36 = tpu.memref_squeeze %dma_start3A_35 : memref<1x128xi32, #tpu.memory_space<vmem>> -> memref<128xi32, #tpu.memory_space<vmem>>
    %dma_start3A_37 = arith.constant 0 : i32
    %dma_start3A_38 = arith.constant 0 : i32
    %dma_start3A_39 = tpu.memref_slice %arg2[%dma_start3A_37, %dma_start3A_38] : memref<10000x128xf32, #tpu.memory_space<hbm>> -> memref<10000x128xf32, #tpu.memory_space<hbm>>
    tpu.enqueue_indirect_dma source(%dma_start3A_39 : memref<10000x128xf32, #tpu.memory_space<hbm>>) target(%arg8 : memref<128x128xf32, #tpu.memory_space<vmem>>) offsets(%dma_start3A_36 : memref<128xi32, #tpu.memory_space<vmem>>) semaphore(%arg11 : memref<!tpu.dma_semaphore, #tpu.memory_space<semaphore_mem>>)
    %dma_start3A_40 = arith.constant 1 : i32
    %dma_start3A_41 = arith.constant 0 : i32
    %dma_start3A_42 = tpu.memref_slice %arg6[%dma_start3A_40, %dma_start3A_41] : memref<40x128xi32, #tpu.memory_space<vmem>> -> memref<1x128xi32, #tpu.memory_space<vmem>>
    %dma_start3A_43 = tpu.memref_squeeze %dma_start3A_42 : memref<1x128xi32, #tpu.memory_space<vmem>> -> memref<128xi32, #tpu.memory_space<vmem>>
    %dma_start3A_44 = arith.constant 0 : i32
    %dma_start3A_45 = arith.constant 0 : i32
    %dma_start3A_46 = tpu.memref_slice %arg2[%dma_start3A_44, %dma_start3A_45] : memref<10000x128xf32, #tpu.memory_space<hbm>> -> memref<10000x128xf32, #tpu.memory_space<hbm>>
    tpu.enqueue_indirect_dma source(%dma_start3A_46 : memref<10000x128xf32, #tpu.memory_space<hbm>>) target(%arg9 : memref<128x128xf32, #tpu.memory_space<vmem>>) offsets(%dma_start3A_43 : memref<128xi32, #tpu.memory_space<vmem>>) semaphore(%arg12 : memref<!tpu.dma_semaphore, #tpu.memory_space<semaphore_mem>>)
    %scan3A_47 = arith.constant 0 : i32
    %scan3A_48 = arith.constant 0 : i32
    %scan3A_49 = arith.constant 20 : i32
    %scan3A_50 = arith.addi %scan3A_48, %scan3A_49 : i32
    %scan3A_51 = arith.constant 1 : i32
    scf.for %scan3A_58 = %scan3A_48 to %scan3A_50 step %scan3A_51  : i32 {
      %mul3A_59 = arith.constant 2 : i32
      %mul3A_60 = arith.muli %mul3A_59, %scan3A_58 : i32
      %dma_wait3A = arith.constant 0 : i32
      %dma_wait3A_61 = tpu.memref_slice %arg6[%mul3A_60, %dma_wait3A] : memref<40x128xi32, #tpu.memory_space<vmem>> -> memref<1x128xi32, #tpu.memory_space<vmem>>
      %dma_wait3A_62 = tpu.memref_squeeze %dma_wait3A_61 : memref<1x128xi32, #tpu.memory_space<vmem>> -> memref<128xi32, #tpu.memory_space<vmem>>
      %dma_wait3A_63 = arith.constant 0 : i32
      %dma_wait3A_64 = arith.constant 0 : i32
      %dma_wait3A_65 = tpu.memref_slice %arg2[%dma_wait3A_63, %dma_wait3A_64] : memref<10000x128xf32, #tpu.memory_space<hbm>> -> memref<10000x128xf32, #tpu.memory_space<hbm>>
      tpu.wait_indirect_dma semaphore(%arg11 : memref<!tpu.dma_semaphore, #tpu.memory_space<semaphore_mem>>) src(%dma_wait3A_65 : memref<10000x128xf32, #tpu.memory_space<hbm>>) dst(%arg8 : memref<128x128xf32, #tpu.memory_space<vmem>>)
      "tpu.region"() ({
        %run_scoped3A_87 = tpu.sem_alloc : memref<!tpu.dma_semaphore, #tpu.memory_space<semaphore_mem>>
        %dma_start3A_88 = arith.constant 0 : i32
        %dma_start3A_89 = tpu.memref_slice %arg7[%mul3A_60, %dma_start3A_88] : memref<40x128xi32, #tpu.memory_space<vmem>> -> memref<1x128xi32, #tpu.memory_space<vmem>>
        %dma_start3A_90 = tpu.memref_squeeze %dma_start3A_89 : memref<1x128xi32, #tpu.memory_space<vmem>> -> memref<128xi32, #tpu.memory_space<vmem>>
        %dma_start3A_91 = arith.constant 0 : i32
        %dma_start3A_92 = arith.constant 0 : i32
        %dma_start3A_93 = tpu.memref_slice %arg10[%dma_start3A_91, %dma_start3A_92] : memref<10240x128xf32, #tpu.memory_space<vmem_shared>> -> memref<10240x128xf32, #tpu.memory_space<vmem_shared>>
        tpu.enqueue_indirect_dma source(%arg8 : memref<128x128xf32, #tpu.memory_space<vmem>>) target(%dma_start3A_93 : memref<10240x128xf32, #tpu.memory_space<vmem_shared>>) offsets(%dma_start3A_90 : memref<128xi32, #tpu.memory_space<vmem>>) semaphore(%run_scoped3A_87 : memref<!tpu.dma_semaphore, #tpu.memory_space<semaphore_mem>>) {add = true}
        %dma_wait3A_94 = arith.constant 0 : i32
        %dma_wait3A_95 = tpu.memref_slice %arg7[%mul3A_60, %dma_wait3A_94] : memref<40x128xi32, #tpu.memory_space<vmem>> -> memref<1x128xi32, #tpu.memory_space<vmem>>
        %dma_wait3A_96 = tpu.memref_squeeze %dma_wait3A_95 : memref<1x128xi32, #tpu.memory_space<vmem>> -> memref<128xi32, #tpu.memory_space<vmem>>
        %dma_wait3A_97 = arith.constant 0 : i32
        %dma_wait3A_98 = arith.constant 0 : i32
        %dma_wait3A_99 = tpu.memref_slice %arg10[%dma_wait3A_97, %dma_wait3A_98] : memref<10240x128xf32, #tpu.memory_space<vmem_shared>> -> memref<10240x128xf32, #tpu.memory_space<vmem_shared>>
        tpu.wait_indirect_dma semaphore(%run_scoped3A_87 : memref<!tpu.dma_semaphore, #tpu.memory_space<semaphore_mem>>) src(%arg8 : memref<128x128xf32, #tpu.memory_space<vmem>>) dst(%dma_wait3A_99 : memref<10240x128xf32, #tpu.memory_space<vmem_shared>>)
        tpu.yield
      }) : () -> ()
      %add3A_66 = arith.constant 2 : i32
      %add3A_67 = arith.addi %mul3A_60, %add3A_66 : i32
      %lt3A = arith.constant 40 : i32
      %lt3A_68 = arith.cmpi slt, %add3A_67, %lt3A : i32
      %convert_element_type3A = arith.extui %lt3A_68 : i1 to i32
      %cond3A = arith.constant 0 : i32
      %cond3A_69 = arith.cmpi ne, %convert_element_type3A, %cond3A : i32
      scf.if %cond3A_69 {
        %add3A_87 = arith.constant 2 : i32
        %add3A_88 = arith.addi %mul3A_60, %add3A_87 : i32
        %dma_start3A_89 = arith.constant 0 : i32
        %dma_start3A_90 = tpu.memref_slice %arg6[%add3A_88, %dma_start3A_89] : memref<40x128xi32, #tpu.memory_space<vmem>> -> memref<1x128xi32, #tpu.memory_space<vmem>>
        %dma_start3A_91 = tpu.memref_squeeze %dma_start3A_90 : memref<1x128xi32, #tpu.memory_space<vmem>> -> memref<128xi32, #tpu.memory_space<vmem>>
        %dma_start3A_92 = arith.constant 0 : i32
        %dma_start3A_93 = arith.constant 0 : i32
        %dma_start3A_94 = tpu.memref_slice %arg2[%dma_start3A_92, %dma_start3A_93] : memref<10000x128xf32, #tpu.memory_space<hbm>> -> memref<10000x128xf32, #tpu.memory_space<hbm>>
        tpu.enqueue_indirect_dma source(%dma_start3A_94 : memref<10000x128xf32, #tpu.memory_space<hbm>>) target(%arg8 : memref<128x128xf32, #tpu.memory_space<vmem>>) offsets(%dma_start3A_91 : memref<128xi32, #tpu.memory_space<vmem>>) semaphore(%arg11 : memref<!tpu.dma_semaphore, #tpu.memory_space<semaphore_mem>>)
      } else {
      }
      %add3A_70 = arith.constant 1 : i32
      %add3A_71 = arith.addi %mul3A_60, %add3A_70 : i32
      %dma_wait3A_72 = arith.constant 0 : i32
      %dma_wait3A_73 = tpu.memref_slice %arg6[%add3A_71, %dma_wait3A_72] : memref<40x128xi32, #tpu.memory_space<vmem>> -> memref<1x128xi32, #tpu.memory_space<vmem>>
      %dma_wait3A_74 = tpu.memref_squeeze %dma_wait3A_73 : memref<1x128xi32, #tpu.memory_space<vmem>> -> memref<128xi32, #tpu.memory_space<vmem>>
      %dma_wait3A_75 = arith.constant 0 : i32
      %dma_wait3A_76 = arith.constant 0 : i32
      %dma_wait3A_77 = tpu.memref_slice %arg2[%dma_wait3A_75, %dma_wait3A_76] : memref<10000x128xf32, #tpu.memory_space<hbm>> -> memref<10000x128xf32, #tpu.memory_space<hbm>>
      tpu.wait_indirect_dma semaphore(%arg12 : memref<!tpu.dma_semaphore, #tpu.memory_space<semaphore_mem>>) src(%dma_wait3A_77 : memref<10000x128xf32, #tpu.memory_space<hbm>>) dst(%arg9 : memref<128x128xf32, #tpu.memory_space<vmem>>)
      %add3A_78 = arith.constant 1 : i32
      %add3A_79 = arith.addi %mul3A_60, %add3A_78 : i32
      "tpu.region"() ({
        %run_scoped3A_87 = tpu.sem_alloc : memref<!tpu.dma_semaphore, #tpu.memory_space<semaphore_mem>>
        %dma_start3A_88 = arith.constant 0 : i32
        %dma_start3A_89 = tpu.memref_slice %arg7[%add3A_79, %dma_start3A_88] : memref<40x128xi32, #tpu.memory_space<vmem>> -> memref<1x128xi32, #tpu.memory_space<vmem>>
        %dma_start3A_90 = tpu.memref_squeeze %dma_start3A_89 : memref<1x128xi32, #tpu.memory_space<vmem>> -> memref<128xi32, #tpu.memory_space<vmem>>
        %dma_start3A_91 = arith.constant 0 : i32
        %dma_start3A_92 = arith.constant 0 : i32
        %dma_start3A_93 = tpu.memref_slice %arg10[%dma_start3A_91, %dma_start3A_92] : memref<10240x128xf32, #tpu.memory_space<vmem_shared>> -> memref<10240x128xf32, #tpu.memory_space<vmem_shared>>
        tpu.enqueue_indirect_dma source(%arg9 : memref<128x128xf32, #tpu.memory_space<vmem>>) target(%dma_start3A_93 : memref<10240x128xf32, #tpu.memory_space<vmem_shared>>) offsets(%dma_start3A_90 : memref<128xi32, #tpu.memory_space<vmem>>) semaphore(%run_scoped3A_87 : memref<!tpu.dma_semaphore, #tpu.memory_space<semaphore_mem>>) {add = true}
        %dma_wait3A_94 = arith.constant 0 : i32
        %dma_wait3A_95 = tpu.memref_slice %arg7[%add3A_79, %dma_wait3A_94] : memref<40x128xi32, #tpu.memory_space<vmem>> -> memref<1x128xi32, #tpu.memory_space<vmem>>
        %dma_wait3A_96 = tpu.memref_squeeze %dma_wait3A_95 : memref<1x128xi32, #tpu.memory_space<vmem>> -> memref<128xi32, #tpu.memory_space<vmem>>
        %dma_wait3A_97 = arith.constant 0 : i32
        %dma_wait3A_98 = arith.constant 0 : i32
        %dma_wait3A_99 = tpu.memref_slice %arg10[%dma_wait3A_97, %dma_wait3A_98] : memref<10240x128xf32, #tpu.memory_space<vmem_shared>> -> memref<10240x128xf32, #tpu.memory_space<vmem_shared>>
        tpu.wait_indirect_dma semaphore(%run_scoped3A_87 : memref<!tpu.dma_semaphore, #tpu.memory_space<semaphore_mem>>) src(%arg9 : memref<128x128xf32, #tpu.memory_space<vmem>>) dst(%dma_wait3A_99 : memref<10240x128xf32, #tpu.memory_space<vmem_shared>>)
        tpu.yield
      }) : () -> ()
      %add3A_80 = arith.constant 3 : i32
      %add3A_81 = arith.addi %mul3A_60, %add3A_80 : i32
      %lt3A_82 = arith.constant 40 : i32
      %lt3A_83 = arith.cmpi slt, %add3A_81, %lt3A_82 : i32
      %convert_element_type3A_84 = arith.extui %lt3A_83 : i1 to i32
      %cond3A_85 = arith.constant 0 : i32
      %cond3A_86 = arith.cmpi ne, %convert_element_type3A_84, %cond3A_85 : i32
      scf.if %cond3A_86 {
        %add3A_87 = arith.constant 3 : i32
        %add3A_88 = arith.addi %mul3A_60, %add3A_87 : i32
        %dma_start3A_89 = arith.constant 0 : i32
        %dma_start3A_90 = tpu.memref_slice %arg6[%add3A_88, %dma_start3A_89] : memref<40x128xi32, #tpu.memory_space<vmem>> -> memref<1x128xi32, #tpu.memory_space<vmem>>
        %dma_start3A_91 = tpu.memref_squeeze %dma_start3A_90 : memref<1x128xi32, #tpu.memory_space<vmem>> -> memref<128xi32, #tpu.memory_space<vmem>>
        %dma_start3A_92 = arith.constant 0 : i32
        %dma_start3A_93 = arith.constant 0 : i32
        %dma_start3A_94 = tpu.memref_slice %arg2[%dma_start3A_92, %dma_start3A_93] : memref<10000x128xf32, #tpu.memory_space<hbm>> -> memref<10000x128xf32, #tpu.memory_space<hbm>>
        tpu.enqueue_indirect_dma source(%dma_start3A_94 : memref<10000x128xf32, #tpu.memory_space<hbm>>) target(%arg9 : memref<128x128xf32, #tpu.memory_space<vmem>>) offsets(%dma_start3A_91 : memref<128xi32, #tpu.memory_space<vmem>>) semaphore(%arg12 : memref<!tpu.dma_semaphore, #tpu.memory_space<semaphore_mem>>)
      } else {
      }
    }
    %scan3A_52 = arith.constant 20 : i32
    %barrier3A_53 = arith.constant 0 : index
    tpu.barrier barrier_id(%barrier3A_53)
    %mul3A_54 = arith.constant 640 : i32
    %mul3A_55 = arith.muli %arg1, %mul3A_54 : i32
    %mul3A_56 = arith.constant 640 : i32
    %mul3A_57 = arith.muli %arg1, %mul3A_56 : i32
    "tpu.region"() ({
      %run_scoped3A_58 = tpu.sem_alloc : memref<!tpu.dma_semaphore, #tpu.memory_space<semaphore_mem>>
      %dma_start3A_59 = arith.constant 0 : i32
      %dma_start3A_60 = tpu.memref_slice %arg5[%arg0, %mul3A_57, %dma_start3A_59] : memref<2x10240x128xf32, #tpu.memory_space<hbm>> -> memref<1x640x128xf32, #tpu.memory_space<hbm>>
      %dma_start3A_61 = tpu.memref_squeeze %dma_start3A_60 : memref<1x640x128xf32, #tpu.memory_space<hbm>> -> memref<640x128xf32, #tpu.memory_space<hbm>>
      %dma_start3A_62 = arith.constant 0 : i32
      %dma_start3A_63 = tpu.memref_slice %arg10[%mul3A_55, %dma_start3A_62] : memref<10240x128xf32, #tpu.memory_space<vmem_shared>> -> memref<640x128xf32, #tpu.memory_space<vmem_shared>>
      tpu.enqueue_dma source(%dma_start3A_63 : memref<640x128xf32, #tpu.memory_space<vmem_shared>>) target(%dma_start3A_61 : memref<640x128xf32, #tpu.memory_space<hbm>>) target_semaphore(%run_scoped3A_58 : memref<!tpu.dma_semaphore, #tpu.memory_space<semaphore_mem>>)
      %dma_wait3A = arith.constant 0 : i32
      %dma_wait3A_64 = tpu.memref_slice %arg5[%arg0, %mul3A_57, %dma_wait3A] : memref<2x10240x128xf32, #tpu.memory_space<hbm>> -> memref<1x640x128xf32, #tpu.memory_space<hbm>>
      %dma_wait3A_65 = tpu.memref_squeeze %dma_wait3A_64 : memref<1x640x128xf32, #tpu.memory_space<hbm>> -> memref<640x128xf32, #tpu.memory_space<hbm>>
      %dma_wait3A_66 = arith.constant 0 : i32
      %dma_wait3A_67 = tpu.memref_slice %arg10[%mul3A_55, %dma_wait3A_66] : memref<10240x128xf32, #tpu.memory_space<vmem_shared>> -> memref<640x128xf32, #tpu.memory_space<vmem_shared>>
      tpu.wait_dma2 semaphore(%run_scoped3A_58 : memref<!tpu.dma_semaphore, #tpu.memory_space<semaphore_mem>>) src(%dma_wait3A_67 : memref<640x128xf32, #tpu.memory_space<vmem_shared>>) dst(%dma_wait3A_65 : memref<640x128xf32, #tpu.memory_space<hbm>>)
      tpu.yield
    }) : () -> ()
    return
  }
}

#map = affine_map<(d0, d1) -> (0, 0)>
#map1 = affine_map<(d0, d1) -> (0, 0, 0)>
module attributes {stable_mosaic.version = 14 : i64} {
  func.func @_segsum_body(%arg0: i32, %arg1: i32, %arg2: memref<10000x128xf32, #tpu.memory_space<hbm>>, %arg3: memref<2x2560x128xi32, #tpu.memory_space<hbm>>, %arg4: memref<640x128xf32, #tpu.memory_space<hbm>>, %arg5: memref<2x10240x128xf32, #tpu.memory_space<hbm>>, %arg6: memref<40x128xi32, #tpu.memory_space<vmem>>, %arg7: memref<40x128xi32, #tpu.memory_space<vmem>>, %arg8: memref<128x128xf32, #tpu.memory_space<vmem>>, %arg9: memref<128x128xf32, #tpu.memory_space<vmem>>, %arg10: memref<10240x128xf32, #tpu.memory_space<vmem_shared>>, %arg11: memref<!tpu.dma_semaphore, #tpu.memory_space<semaphore_mem>>, %arg12: memref<!tpu.dma_semaphore, #tpu.memory_space<semaphore_mem>>) attributes {dimension_semantics = [#tpu.dimension_semantics<core_parallel>, #tpu.dimension_semantics<subcore_parallel>], iteration_bounds = array<i64: 2, 16>, scalar_prefetch = 0 : i64, scratch_operands = 7 : i64, tpu.core_type = #tpu.core_type<sc_vector_subcore>, window_params = [{transform_indices = #map}, {transform_indices = #map1}, {transform_indices = #map}, {transform_indices = #map1}]} {
    %mul3A = arith.constant 16 : i32
    %mul3A_0 = arith.muli %arg0, %mul3A : i32
    %add3A = arith.addi %mul3A_0, %arg1 : i32
    %mul3A_1 = arith.constant 640 : i32
    %mul3A_2 = arith.muli %arg1, %mul3A_1 : i32
    "tpu.region"() ({
      %run_scoped3A_58 = tpu.sem_alloc : memref<!tpu.dma_semaphore, #tpu.memory_space<semaphore_mem>>
      %dma_start3A_59 = arith.constant 0 : i32
      %dma_start3A_60 = tpu.memref_slice %arg10[%mul3A_2, %dma_start3A_59] : memref<10240x128xf32, #tpu.memory_space<vmem_shared>> -> memref<640x128xf32, #tpu.memory_space<vmem_shared>>
      tpu.enqueue_dma source(%arg4 : memref<640x128xf32, #tpu.memory_space<hbm>>) target(%dma_start3A_60 : memref<640x128xf32, #tpu.memory_space<vmem_shared>>) target_semaphore(%run_scoped3A_58 : memref<!tpu.dma_semaphore, #tpu.memory_space<semaphore_mem>>)
      %dma_wait3A = arith.constant 0 : i32
      %dma_wait3A_61 = tpu.memref_slice %arg10[%mul3A_2, %dma_wait3A] : memref<10240x128xf32, #tpu.memory_space<vmem_shared>> -> memref<640x128xf32, #tpu.memory_space<vmem_shared>>
      tpu.wait_dma2 semaphore(%run_scoped3A_58 : memref<!tpu.dma_semaphore, #tpu.memory_space<semaphore_mem>>) src(%arg4 : memref<640x128xf32, #tpu.memory_space<hbm>>) dst(%dma_wait3A_61 : memref<640x128xf32, #tpu.memory_space<vmem_shared>>)
      tpu.yield
    }) : () -> ()
    %barrier3A = arith.constant 0 : index
    tpu.barrier barrier_id(%barrier3A)
    %mul3A_3 = arith.constant 80 : i32
    %mul3A_4 = arith.muli %add3A, %mul3A_3 : i32
    %add3A_5 = arith.constant 0 : i32
    %add3A_6 = arith.addi %mul3A_4, %add3A_5 : i32
    %multiple_of3A = tpu.assume_multiple %add3A_6, 8 : i32
    %run_scoped3A = arith.constant 0 : i32
    "tpu.region"() ({
      %run_scoped3A_58 = tpu.sem_alloc : memref<!tpu.dma_semaphore, #tpu.memory_space<semaphore_mem>>
      %dma_start3A_59 = arith.constant 0 : i32
      %dma_start3A_60 = tpu.memref_slice %arg3[%run_scoped3A, %multiple_of3A, %dma_start3A_59] : memref<2x2560x128xi32, #tpu.memory_space<hbm>> -> memref<1x40x128xi32, #tpu.memory_space<hbm>>
      %dma_start3A_61 = tpu.memref_squeeze %dma_start3A_60 : memref<1x40x128xi32, #tpu.memory_space<hbm>> -> memref<40x128xi32, #tpu.memory_space<hbm>>
      %dma_start3A_62 = arith.constant 0 : i32
      %dma_start3A_63 = tpu.memref_slice %arg3[%run_scoped3A, %multiple_of3A, %dma_start3A_62] : memref<2x2560x128xi32, #tpu.memory_space<hbm>> -> memref<1x40x128xi32, #tpu.memory_space<hbm>>
      %dma_start3A_64 = tpu.memref_squeeze %dma_start3A_63 : memref<1x40x128xi32, #tpu.memory_space<hbm>> -> memref<40x128xi32, #tpu.memory_space<hbm>>
      tpu.enqueue_dma source(%dma_start3A_64 : memref<40x128xi32, #tpu.memory_space<hbm>>) target(%arg6 : memref<40x128xi32, #tpu.memory_space<vmem>>) target_semaphore(%run_scoped3A_58 : memref<!tpu.dma_semaphore, #tpu.memory_space<semaphore_mem>>)
      %dma_wait3A = arith.constant 0 : i32
      %dma_wait3A_65 = tpu.memref_slice %arg3[%run_scoped3A, %multiple_of3A, %dma_wait3A] : memref<2x2560x128xi32, #tpu.memory_space<hbm>> -> memref<1x40x128xi32, #tpu.memory_space<hbm>>
      %dma_wait3A_66 = tpu.memref_squeeze %dma_wait3A_65 : memref<1x40x128xi32, #tpu.memory_space<hbm>> -> memref<40x128xi32, #tpu.memory_space<hbm>>
      %dma_wait3A_67 = arith.constant 0 : i32
      %dma_wait3A_68 = tpu.memref_slice %arg3[%run_scoped3A, %multiple_of3A, %dma_wait3A_67] : memref<2x2560x128xi32, #tpu.memory_space<hbm>> -> memref<1x40x128xi32, #tpu.memory_space<hbm>>
      %dma_wait3A_69 = tpu.memref_squeeze %dma_wait3A_68 : memref<1x40x128xi32, #tpu.memory_space<hbm>> -> memref<40x128xi32, #tpu.memory_space<hbm>>
      tpu.wait_dma2 semaphore(%run_scoped3A_58 : memref<!tpu.dma_semaphore, #tpu.memory_space<semaphore_mem>>) src(%dma_wait3A_69 : memref<40x128xi32, #tpu.memory_space<hbm>>) dst(%arg6 : memref<40x128xi32, #tpu.memory_space<vmem>>)
      tpu.yield
    }) : () -> ()
    %run_scoped3A_7 = arith.constant 1 : i32
    "tpu.region"() ({
      %run_scoped3A_58 = tpu.sem_alloc : memref<!tpu.dma_semaphore, #tpu.memory_space<semaphore_mem>>
      %dma_start3A_59 = arith.constant 0 : i32
      %dma_start3A_60 = tpu.memref_slice %arg3[%run_scoped3A_7, %multiple_of3A, %dma_start3A_59] : memref<2x2560x128xi32, #tpu.memory_space<hbm>> -> memref<1x40x128xi32, #tpu.memory_space<hbm>>
      %dma_start3A_61 = tpu.memref_squeeze %dma_start3A_60 : memref<1x40x128xi32, #tpu.memory_space<hbm>> -> memref<40x128xi32, #tpu.memory_space<hbm>>
      %dma_start3A_62 = arith.constant 0 : i32
      %dma_start3A_63 = tpu.memref_slice %arg3[%run_scoped3A_7, %multiple_of3A, %dma_start3A_62] : memref<2x2560x128xi32, #tpu.memory_space<hbm>> -> memref<1x40x128xi32, #tpu.memory_space<hbm>>
      %dma_start3A_64 = tpu.memref_squeeze %dma_start3A_63 : memref<1x40x128xi32, #tpu.memory_space<hbm>> -> memref<40x128xi32, #tpu.memory_space<hbm>>
      tpu.enqueue_dma source(%dma_start3A_64 : memref<40x128xi32, #tpu.memory_space<hbm>>) target(%arg7 : memref<40x128xi32, #tpu.memory_space<vmem>>) target_semaphore(%run_scoped3A_58 : memref<!tpu.dma_semaphore, #tpu.memory_space<semaphore_mem>>)
      %dma_wait3A = arith.constant 0 : i32
      %dma_wait3A_65 = tpu.memref_slice %arg3[%run_scoped3A_7, %multiple_of3A, %dma_wait3A] : memref<2x2560x128xi32, #tpu.memory_space<hbm>> -> memref<1x40x128xi32, #tpu.memory_space<hbm>>
      %dma_wait3A_66 = tpu.memref_squeeze %dma_wait3A_65 : memref<1x40x128xi32, #tpu.memory_space<hbm>> -> memref<40x128xi32, #tpu.memory_space<hbm>>
      %dma_wait3A_67 = arith.constant 0 : i32
      %dma_wait3A_68 = tpu.memref_slice %arg3[%run_scoped3A_7, %multiple_of3A, %dma_wait3A_67] : memref<2x2560x128xi32, #tpu.memory_space<hbm>> -> memref<1x40x128xi32, #tpu.memory_space<hbm>>
      %dma_wait3A_69 = tpu.memref_squeeze %dma_wait3A_68 : memref<1x40x128xi32, #tpu.memory_space<hbm>> -> memref<40x128xi32, #tpu.memory_space<hbm>>
      tpu.wait_dma2 semaphore(%run_scoped3A_58 : memref<!tpu.dma_semaphore, #tpu.memory_space<semaphore_mem>>) src(%dma_wait3A_69 : memref<40x128xi32, #tpu.memory_space<hbm>>) dst(%arg7 : memref<40x128xi32, #tpu.memory_space<vmem>>)
      tpu.yield
    }) : () -> ()
    %dma_start3A = arith.constant 0 : i32
    %dma_start3A_8 = arith.constant 0 : i32
    %dma_start3A_9 = tpu.memref_slice %arg6[%dma_start3A, %dma_start3A_8] : memref<40x128xi32, #tpu.memory_space<vmem>> -> memref<1x128xi32, #tpu.memory_space<vmem>>
    %dma_start3A_10 = tpu.memref_squeeze %dma_start3A_9 : memref<1x128xi32, #tpu.memory_space<vmem>> -> memref<128xi32, #tpu.memory_space<vmem>>
    %dma_start3A_11 = arith.constant 0 : i32
    %dma_start3A_12 = arith.constant 0 : i32
    %dma_start3A_13 = tpu.memref_slice %arg2[%dma_start3A_11, %dma_start3A_12] : memref<10000x128xf32, #tpu.memory_space<hbm>> -> memref<10000x128xf32, #tpu.memory_space<hbm>>
    tpu.enqueue_indirect_dma source(%dma_start3A_13 : memref<10000x128xf32, #tpu.memory_space<hbm>>) target(%arg8 : memref<128x128xf32, #tpu.memory_space<vmem>>) offsets(%dma_start3A_10 : memref<128xi32, #tpu.memory_space<vmem>>) semaphore(%arg11 : memref<!tpu.dma_semaphore, #tpu.memory_space<semaphore_mem>>)
    %dma_start3A_14 = arith.constant 1 : i32
    %dma_start3A_15 = arith.constant 0 : i32
    %dma_start3A_16 = tpu.memref_slice %arg6[%dma_start3A_14, %dma_start3A_15] : memref<40x128xi32, #tpu.memory_space<vmem>> -> memref<1x128xi32, #tpu.memory_space<vmem>>
    %dma_start3A_17 = tpu.memref_squeeze %dma_start3A_16 : memref<1x128xi32, #tpu.memory_space<vmem>> -> memref<128xi32, #tpu.memory_space<vmem>>
    %dma_start3A_18 = arith.constant 0 : i32
    %dma_start3A_19 = arith.constant 0 : i32
    %dma_start3A_20 = tpu.memref_slice %arg2[%dma_start3A_18, %dma_start3A_19] : memref<10000x128xf32, #tpu.memory_space<hbm>> -> memref<10000x128xf32, #tpu.memory_space<hbm>>
    tpu.enqueue_indirect_dma source(%dma_start3A_20 : memref<10000x128xf32, #tpu.memory_space<hbm>>) target(%arg9 : memref<128x128xf32, #tpu.memory_space<vmem>>) offsets(%dma_start3A_17 : memref<128xi32, #tpu.memory_space<vmem>>) semaphore(%arg12 : memref<!tpu.dma_semaphore, #tpu.memory_space<semaphore_mem>>)
    %scan3A = arith.constant 0 : i32
    %scan3A_21 = arith.constant 0 : i32
    %scan3A_22 = arith.constant 20 : i32
    %scan3A_23 = arith.addi %scan3A_21, %scan3A_22 : i32
    %scan3A_24 = arith.constant 1 : i32
    scf.for %scan3A_58 = %scan3A_21 to %scan3A_23 step %scan3A_24  : i32 {
      %mul3A_59 = arith.constant 2 : i32
      %mul3A_60 = arith.muli %mul3A_59, %scan3A_58 : i32
      %dma_wait3A = arith.constant 0 : i32
      %dma_wait3A_61 = tpu.memref_slice %arg6[%mul3A_60, %dma_wait3A] : memref<40x128xi32, #tpu.memory_space<vmem>> -> memref<1x128xi32, #tpu.memory_space<vmem>>
      %dma_wait3A_62 = tpu.memref_squeeze %dma_wait3A_61 : memref<1x128xi32, #tpu.memory_space<vmem>> -> memref<128xi32, #tpu.memory_space<vmem>>
      %dma_wait3A_63 = arith.constant 0 : i32
      %dma_wait3A_64 = arith.constant 0 : i32
      %dma_wait3A_65 = tpu.memref_slice %arg2[%dma_wait3A_63, %dma_wait3A_64] : memref<10000x128xf32, #tpu.memory_space<hbm>> -> memref<10000x128xf32, #tpu.memory_space<hbm>>
      tpu.wait_indirect_dma semaphore(%arg11 : memref<!tpu.dma_semaphore, #tpu.memory_space<semaphore_mem>>) src(%dma_wait3A_65 : memref<10000x128xf32, #tpu.memory_space<hbm>>) dst(%arg8 : memref<128x128xf32, #tpu.memory_space<vmem>>)
      "tpu.region"() ({
        %run_scoped3A_87 = tpu.sem_alloc : memref<!tpu.dma_semaphore, #tpu.memory_space<semaphore_mem>>
        %dma_start3A_88 = arith.constant 0 : i32
        %dma_start3A_89 = tpu.memref_slice %arg7[%mul3A_60, %dma_start3A_88] : memref<40x128xi32, #tpu.memory_space<vmem>> -> memref<1x128xi32, #tpu.memory_space<vmem>>
        %dma_start3A_90 = tpu.memref_squeeze %dma_start3A_89 : memref<1x128xi32, #tpu.memory_space<vmem>> -> memref<128xi32, #tpu.memory_space<vmem>>
        %dma_start3A_91 = arith.constant 0 : i32
        %dma_start3A_92 = arith.constant 0 : i32
        %dma_start3A_93 = tpu.memref_slice %arg10[%dma_start3A_91, %dma_start3A_92] : memref<10240x128xf32, #tpu.memory_space<vmem_shared>> -> memref<10240x128xf32, #tpu.memory_space<vmem_shared>>
        tpu.enqueue_indirect_dma source(%arg8 : memref<128x128xf32, #tpu.memory_space<vmem>>) target(%dma_start3A_93 : memref<10240x128xf32, #tpu.memory_space<vmem_shared>>) offsets(%dma_start3A_90 : memref<128xi32, #tpu.memory_space<vmem>>) semaphore(%run_scoped3A_87 : memref<!tpu.dma_semaphore, #tpu.memory_space<semaphore_mem>>) {add = true}
        %dma_wait3A_94 = arith.constant 0 : i32
        %dma_wait3A_95 = tpu.memref_slice %arg7[%mul3A_60, %dma_wait3A_94] : memref<40x128xi32, #tpu.memory_space<vmem>> -> memref<1x128xi32, #tpu.memory_space<vmem>>
        %dma_wait3A_96 = tpu.memref_squeeze %dma_wait3A_95 : memref<1x128xi32, #tpu.memory_space<vmem>> -> memref<128xi32, #tpu.memory_space<vmem>>
        %dma_wait3A_97 = arith.constant 0 : i32
        %dma_wait3A_98 = arith.constant 0 : i32
        %dma_wait3A_99 = tpu.memref_slice %arg10[%dma_wait3A_97, %dma_wait3A_98] : memref<10240x128xf32, #tpu.memory_space<vmem_shared>> -> memref<10240x128xf32, #tpu.memory_space<vmem_shared>>
        tpu.wait_indirect_dma semaphore(%run_scoped3A_87 : memref<!tpu.dma_semaphore, #tpu.memory_space<semaphore_mem>>) src(%arg8 : memref<128x128xf32, #tpu.memory_space<vmem>>) dst(%dma_wait3A_99 : memref<10240x128xf32, #tpu.memory_space<vmem_shared>>)
        tpu.yield
      }) : () -> ()
      %add3A_66 = arith.constant 2 : i32
      %add3A_67 = arith.addi %mul3A_60, %add3A_66 : i32
      %lt3A = arith.constant 40 : i32
      %lt3A_68 = arith.cmpi slt, %add3A_67, %lt3A : i32
      %convert_element_type3A = arith.extui %lt3A_68 : i1 to i32
      %cond3A = arith.constant 0 : i32
      %cond3A_69 = arith.cmpi ne, %convert_element_type3A, %cond3A : i32
      scf.if %cond3A_69 {
        %add3A_87 = arith.constant 2 : i32
        %add3A_88 = arith.addi %mul3A_60, %add3A_87 : i32
        %dma_start3A_89 = arith.constant 0 : i32
        %dma_start3A_90 = tpu.memref_slice %arg6[%add3A_88, %dma_start3A_89] : memref<40x128xi32, #tpu.memory_space<vmem>> -> memref<1x128xi32, #tpu.memory_space<vmem>>
        %dma_start3A_91 = tpu.memref_squeeze %dma_start3A_90 : memref<1x128xi32, #tpu.memory_space<vmem>> -> memref<128xi32, #tpu.memory_space<vmem>>
        %dma_start3A_92 = arith.constant 0 : i32
        %dma_start3A_93 = arith.constant 0 : i32
        %dma_start3A_94 = tpu.memref_slice %arg2[%dma_start3A_92, %dma_start3A_93] : memref<10000x128xf32, #tpu.memory_space<hbm>> -> memref<10000x128xf32, #tpu.memory_space<hbm>>
        tpu.enqueue_indirect_dma source(%dma_start3A_94 : memref<10000x128xf32, #tpu.memory_space<hbm>>) target(%arg8 : memref<128x128xf32, #tpu.memory_space<vmem>>) offsets(%dma_start3A_91 : memref<128xi32, #tpu.memory_space<vmem>>) semaphore(%arg11 : memref<!tpu.dma_semaphore, #tpu.memory_space<semaphore_mem>>)
      } else {
      }
      %add3A_70 = arith.constant 1 : i32
      %add3A_71 = arith.addi %mul3A_60, %add3A_70 : i32
      %dma_wait3A_72 = arith.constant 0 : i32
      %dma_wait3A_73 = tpu.memref_slice %arg6[%add3A_71, %dma_wait3A_72] : memref<40x128xi32, #tpu.memory_space<vmem>> -> memref<1x128xi32, #tpu.memory_space<vmem>>
      %dma_wait3A_74 = tpu.memref_squeeze %dma_wait3A_73 : memref<1x128xi32, #tpu.memory_space<vmem>> -> memref<128xi32, #tpu.memory_space<vmem>>
      %dma_wait3A_75 = arith.constant 0 : i32
      %dma_wait3A_76 = arith.constant 0 : i32
      %dma_wait3A_77 = tpu.memref_slice %arg2[%dma_wait3A_75, %dma_wait3A_76] : memref<10000x128xf32, #tpu.memory_space<hbm>> -> memref<10000x128xf32, #tpu.memory_space<hbm>>
      tpu.wait_indirect_dma semaphore(%arg12 : memref<!tpu.dma_semaphore, #tpu.memory_space<semaphore_mem>>) src(%dma_wait3A_77 : memref<10000x128xf32, #tpu.memory_space<hbm>>) dst(%arg9 : memref<128x128xf32, #tpu.memory_space<vmem>>)
      %add3A_78 = arith.constant 1 : i32
      %add3A_79 = arith.addi %mul3A_60, %add3A_78 : i32
      "tpu.region"() ({
        %run_scoped3A_87 = tpu.sem_alloc : memref<!tpu.dma_semaphore, #tpu.memory_space<semaphore_mem>>
        %dma_start3A_88 = arith.constant 0 : i32
        %dma_start3A_89 = tpu.memref_slice %arg7[%add3A_79, %dma_start3A_88] : memref<40x128xi32, #tpu.memory_space<vmem>> -> memref<1x128xi32, #tpu.memory_space<vmem>>
        %dma_start3A_90 = tpu.memref_squeeze %dma_start3A_89 : memref<1x128xi32, #tpu.memory_space<vmem>> -> memref<128xi32, #tpu.memory_space<vmem>>
        %dma_start3A_91 = arith.constant 0 : i32
        %dma_start3A_92 = arith.constant 0 : i32
        %dma_start3A_93 = tpu.memref_slice %arg10[%dma_start3A_91, %dma_start3A_92] : memref<10240x128xf32, #tpu.memory_space<vmem_shared>> -> memref<10240x128xf32, #tpu.memory_space<vmem_shared>>
        tpu.enqueue_indirect_dma source(%arg9 : memref<128x128xf32, #tpu.memory_space<vmem>>) target(%dma_start3A_93 : memref<10240x128xf32, #tpu.memory_space<vmem_shared>>) offsets(%dma_start3A_90 : memref<128xi32, #tpu.memory_space<vmem>>) semaphore(%run_scoped3A_87 : memref<!tpu.dma_semaphore, #tpu.memory_space<semaphore_mem>>) {add = true}
        %dma_wait3A_94 = arith.constant 0 : i32
        %dma_wait3A_95 = tpu.memref_slice %arg7[%add3A_79, %dma_wait3A_94] : memref<40x128xi32, #tpu.memory_space<vmem>> -> memref<1x128xi32, #tpu.memory_space<vmem>>
        %dma_wait3A_96 = tpu.memref_squeeze %dma_wait3A_95 : memref<1x128xi32, #tpu.memory_space<vmem>> -> memref<128xi32, #tpu.memory_space<vmem>>
        %dma_wait3A_97 = arith.constant 0 : i32
        %dma_wait3A_98 = arith.constant 0 : i32
        %dma_wait3A_99 = tpu.memref_slice %arg10[%dma_wait3A_97, %dma_wait3A_98] : memref<10240x128xf32, #tpu.memory_space<vmem_shared>> -> memref<10240x128xf32, #tpu.memory_space<vmem_shared>>
        tpu.wait_indirect_dma semaphore(%run_scoped3A_87 : memref<!tpu.dma_semaphore, #tpu.memory_space<semaphore_mem>>) src(%arg9 : memref<128x128xf32, #tpu.memory_space<vmem>>) dst(%dma_wait3A_99 : memref<10240x128xf32, #tpu.memory_space<vmem_shared>>)
        tpu.yield
      }) : () -> ()
      %add3A_80 = arith.constant 3 : i32
      %add3A_81 = arith.addi %mul3A_60, %add3A_80 : i32
      %lt3A_82 = arith.constant 40 : i32
      %lt3A_83 = arith.cmpi slt, %add3A_81, %lt3A_82 : i32
      %convert_element_type3A_84 = arith.extui %lt3A_83 : i1 to i32
      %cond3A_85 = arith.constant 0 : i32
      %cond3A_86 = arith.cmpi ne, %convert_element_type3A_84, %cond3A_85 : i32
      scf.if %cond3A_86 {
        %add3A_87 = arith.constant 3 : i32
        %add3A_88 = arith.addi %mul3A_60, %add3A_87 : i32
        %dma_start3A_89 = arith.constant 0 : i32
        %dma_start3A_90 = tpu.memref_slice %arg6[%add3A_88, %dma_start3A_89] : memref<40x128xi32, #tpu.memory_space<vmem>> -> memref<1x128xi32, #tpu.memory_space<vmem>>
        %dma_start3A_91 = tpu.memref_squeeze %dma_start3A_90 : memref<1x128xi32, #tpu.memory_space<vmem>> -> memref<128xi32, #tpu.memory_space<vmem>>
        %dma_start3A_92 = arith.constant 0 : i32
        %dma_start3A_93 = arith.constant 0 : i32
        %dma_start3A_94 = tpu.memref_slice %arg2[%dma_start3A_92, %dma_start3A_93] : memref<10000x128xf32, #tpu.memory_space<hbm>> -> memref<10000x128xf32, #tpu.memory_space<hbm>>
        tpu.enqueue_indirect_dma source(%dma_start3A_94 : memref<10000x128xf32, #tpu.memory_space<hbm>>) target(%arg9 : memref<128x128xf32, #tpu.memory_space<vmem>>) offsets(%dma_start3A_91 : memref<128xi32, #tpu.memory_space<vmem>>) semaphore(%arg12 : memref<!tpu.dma_semaphore, #tpu.memory_space<semaphore_mem>>)
      } else {
      }
    }
    %scan3A_25 = arith.constant 20 : i32
    %mul3A_26 = arith.constant 80 : i32
    %mul3A_27 = arith.muli %add3A, %mul3A_26 : i32
    %add3A_28 = arith.constant 40 : i32
    %add3A_29 = arith.addi %mul3A_27, %add3A_28 : i32
    %multiple_of3A_30 = tpu.assume_multiple %add3A_29, 8 : i32
    %run_scoped3A_31 = arith.constant 0 : i32
    "tpu.region"() ({
      %run_scoped3A_58 = tpu.sem_alloc : memref<!tpu.dma_semaphore, #tpu.memory_space<semaphore_mem>>
      %dma_start3A_59 = arith.constant 0 : i32
      %dma_start3A_60 = tpu.memref_slice %arg3[%run_scoped3A_31, %multiple_of3A_30, %dma_start3A_59] : memref<2x2560x128xi32, #tpu.memory_space<hbm>> -> memref<1x40x128xi32, #tpu.memory_space<hbm>>
      %dma_start3A_61 = tpu.memref_squeeze %dma_start3A_60 : memref<1x40x128xi32, #tpu.memory_space<hbm>> -> memref<40x128xi32, #tpu.memory_space<hbm>>
      %dma_start3A_62 = arith.constant 0 : i32
      %dma_start3A_63 = tpu.memref_slice %arg3[%run_scoped3A_31, %multiple_of3A_30, %dma_start3A_62] : memref<2x2560x128xi32, #tpu.memory_space<hbm>> -> memref<1x40x128xi32, #tpu.memory_space<hbm>>
      %dma_start3A_64 = tpu.memref_squeeze %dma_start3A_63 : memref<1x40x128xi32, #tpu.memory_space<hbm>> -> memref<40x128xi32, #tpu.memory_space<hbm>>
      tpu.enqueue_dma source(%dma_start3A_64 : memref<40x128xi32, #tpu.memory_space<hbm>>) target(%arg6 : memref<40x128xi32, #tpu.memory_space<vmem>>) target_semaphore(%run_scoped3A_58 : memref<!tpu.dma_semaphore, #tpu.memory_space<semaphore_mem>>)
      %dma_wait3A = arith.constant 0 : i32
      %dma_wait3A_65 = tpu.memref_slice %arg3[%run_scoped3A_31, %multiple_of3A_30, %dma_wait3A] : memref<2x2560x128xi32, #tpu.memory_space<hbm>> -> memref<1x40x128xi32, #tpu.memory_space<hbm>>
      %dma_wait3A_66 = tpu.memref_squeeze %dma_wait3A_65 : memref<1x40x128xi32, #tpu.memory_space<hbm>> -> memref<40x128xi32, #tpu.memory_space<hbm>>
      %dma_wait3A_67 = arith.constant 0 : i32
      %dma_wait3A_68 = tpu.memref_slice %arg3[%run_scoped3A_31, %multiple_of3A_30, %dma_wait3A_67] : memref<2x2560x128xi32, #tpu.memory_space<hbm>> -> memref<1x40x128xi32, #tpu.memory_space<hbm>>
      %dma_wait3A_69 = tpu.memref_squeeze %dma_wait3A_68 : memref<1x40x128xi32, #tpu.memory_space<hbm>> -> memref<40x128xi32, #tpu.memory_space<hbm>>
      tpu.wait_dma2 semaphore(%run_scoped3A_58 : memref<!tpu.dma_semaphore, #tpu.memory_space<semaphore_mem>>) src(%dma_wait3A_69 : memref<40x128xi32, #tpu.memory_space<hbm>>) dst(%arg6 : memref<40x128xi32, #tpu.memory_space<vmem>>)
      tpu.yield
    }) : () -> ()
    %run_scoped3A_32 = arith.constant 1 : i32
    "tpu.region"() ({
      %run_scoped3A_58 = tpu.sem_alloc : memref<!tpu.dma_semaphore, #tpu.memory_space<semaphore_mem>>
      %dma_start3A_59 = arith.constant 0 : i32
      %dma_start3A_60 = tpu.memref_slice %arg3[%run_scoped3A_32, %multiple_of3A_30, %dma_start3A_59] : memref<2x2560x128xi32, #tpu.memory_space<hbm>> -> memref<1x40x128xi32, #tpu.memory_space<hbm>>
      %dma_start3A_61 = tpu.memref_squeeze %dma_start3A_60 : memref<1x40x128xi32, #tpu.memory_space<hbm>> -> memref<40x128xi32, #tpu.memory_space<hbm>>
      %dma_start3A_62 = arith.constant 0 : i32
      %dma_start3A_63 = tpu.memref_slice %arg3[%run_scoped3A_32, %multiple_of3A_30, %dma_start3A_62] : memref<2x2560x128xi32, #tpu.memory_space<hbm>> -> memref<1x40x128xi32, #tpu.memory_space<hbm>>
      %dma_start3A_64 = tpu.memref_squeeze %dma_start3A_63 : memref<1x40x128xi32, #tpu.memory_space<hbm>> -> memref<40x128xi32, #tpu.memory_space<hbm>>
      tpu.enqueue_dma source(%dma_start3A_64 : memref<40x128xi32, #tpu.memory_space<hbm>>) target(%arg7 : memref<40x128xi32, #tpu.memory_space<vmem>>) target_semaphore(%run_scoped3A_58 : memref<!tpu.dma_semaphore, #tpu.memory_space<semaphore_mem>>)
      %dma_wait3A = arith.constant 0 : i32
      %dma_wait3A_65 = tpu.memref_slice %arg3[%run_scoped3A_32, %multiple_of3A_30, %dma_wait3A] : memref<2x2560x128xi32, #tpu.memory_space<hbm>> -> memref<1x40x128xi32, #tpu.memory_space<hbm>>
      %dma_wait3A_66 = tpu.memref_squeeze %dma_wait3A_65 : memref<1x40x128xi32, #tpu.memory_space<hbm>> -> memref<40x128xi32, #tpu.memory_space<hbm>>
      %dma_wait3A_67 = arith.constant 0 : i32
      %dma_wait3A_68 = tpu.memref_slice %arg3[%run_scoped3A_32, %multiple_of3A_30, %dma_wait3A_67] : memref<2x2560x128xi32, #tpu.memory_space<hbm>> -> memref<1x40x128xi32, #tpu.memory_space<hbm>>
      %dma_wait3A_69 = tpu.memref_squeeze %dma_wait3A_68 : memref<1x40x128xi32, #tpu.memory_space<hbm>> -> memref<40x128xi32, #tpu.memory_space<hbm>>
      tpu.wait_dma2 semaphore(%run_scoped3A_58 : memref<!tpu.dma_semaphore, #tpu.memory_space<semaphore_mem>>) src(%dma_wait3A_69 : memref<40x128xi32, #tpu.memory_space<hbm>>) dst(%arg7 : memref<40x128xi32, #tpu.memory_space<vmem>>)
      tpu.yield
    }) : () -> ()
    %dma_start3A_33 = arith.constant 0 : i32
    %dma_start3A_34 = arith.constant 0 : i32
    %dma_start3A_35 = tpu.memref_slice %arg6[%dma_start3A_33, %dma_start3A_34] : memref<40x128xi32, #tpu.memory_space<vmem>> -> memref<1x128xi32, #tpu.memory_space<vmem>>
    %dma_start3A_36 = tpu.memref_squeeze %dma_start3A_35 : memref<1x128xi32, #tpu.memory_space<vmem>> -> memref<128xi32, #tpu.memory_space<vmem>>
    %dma_start3A_37 = arith.constant 0 : i32
    %dma_start3A_38 = arith.constant 0 : i32
    %dma_start3A_39 = tpu.memref_slice %arg2[%dma_start3A_37, %dma_start3A_38] : memref<10000x128xf32, #tpu.memory_space<hbm>> -> memref<10000x128xf32, #tpu.memory_space<hbm>>
    tpu.enqueue_indirect_dma source(%dma_start3A_39 : memref<10000x128xf32, #tpu.memory_space<hbm>>) target(%arg8 : memref<128x128xf32, #tpu.memory_space<vmem>>) offsets(%dma_start3A_36 : memref<128xi32, #tpu.memory_space<vmem>>) semaphore(%arg11 : memref<!tpu.dma_semaphore, #tpu.memory_space<semaphore_mem>>)
    %dma_start3A_40 = arith.constant 1 : i32
    %dma_start3A_41 = arith.constant 0 : i32
    %dma_start3A_42 = tpu.memref_slice %arg6[%dma_start3A_40, %dma_start3A_41] : memref<40x128xi32, #tpu.memory_space<vmem>> -> memref<1x128xi32, #tpu.memory_space<vmem>>
    %dma_start3A_43 = tpu.memref_squeeze %dma_start3A_42 : memref<1x128xi32, #tpu.memory_space<vmem>> -> memref<128xi32, #tpu.memory_space<vmem>>
    %dma_start3A_44 = arith.constant 0 : i32
    %dma_start3A_45 = arith.constant 0 : i32
    %dma_start3A_46 = tpu.memref_slice %arg2[%dma_start3A_44, %dma_start3A_45] : memref<10000x128xf32, #tpu.memory_space<hbm>> -> memref<10000x128xf32, #tpu.memory_space<hbm>>
    tpu.enqueue_indirect_dma source(%dma_start3A_46 : memref<10000x128xf32, #tpu.memory_space<hbm>>) target(%arg9 : memref<128x128xf32, #tpu.memory_space<vmem>>) offsets(%dma_start3A_43 : memref<128xi32, #tpu.memory_space<vmem>>) semaphore(%arg12 : memref<!tpu.dma_semaphore, #tpu.memory_space<semaphore_mem>>)
    %scan3A_47 = arith.constant 0 : i32
    %scan3A_48 = arith.constant 0 : i32
    %scan3A_49 = arith.constant 20 : i32
    %scan3A_50 = arith.addi %scan3A_48, %scan3A_49 : i32
    %scan3A_51 = arith.constant 1 : i32
    scf.for %scan3A_58 = %scan3A_48 to %scan3A_50 step %scan3A_51  : i32 {
      %mul3A_59 = arith.constant 2 : i32
      %mul3A_60 = arith.muli %mul3A_59, %scan3A_58 : i32
      %dma_wait3A = arith.constant 0 : i32
      %dma_wait3A_61 = tpu.memref_slice %arg6[%mul3A_60, %dma_wait3A] : memref<40x128xi32, #tpu.memory_space<vmem>> -> memref<1x128xi32, #tpu.memory_space<vmem>>
      %dma_wait3A_62 = tpu.memref_squeeze %dma_wait3A_61 : memref<1x128xi32, #tpu.memory_space<vmem>> -> memref<128xi32, #tpu.memory_space<vmem>>
      %dma_wait3A_63 = arith.constant 0 : i32
      %dma_wait3A_64 = arith.constant 0 : i32
      %dma_wait3A_65 = tpu.memref_slice %arg2[%dma_wait3A_63, %dma_wait3A_64] : memref<10000x128xf32, #tpu.memory_space<hbm>> -> memref<10000x128xf32, #tpu.memory_space<hbm>>
      tpu.wait_indirect_dma semaphore(%arg11 : memref<!tpu.dma_semaphore, #tpu.memory_space<semaphore_mem>>) src(%dma_wait3A_65 : memref<10000x128xf32, #tpu.memory_space<hbm>>) dst(%arg8 : memref<128x128xf32, #tpu.memory_space<vmem>>)
      "tpu.region"() ({
        %run_scoped3A_87 = tpu.sem_alloc : memref<!tpu.dma_semaphore, #tpu.memory_space<semaphore_mem>>
        %dma_start3A_88 = arith.constant 0 : i32
        %dma_start3A_89 = tpu.memref_slice %arg7[%mul3A_60, %dma_start3A_88] : memref<40x128xi32, #tpu.memory_space<vmem>> -> memref<1x128xi32, #tpu.memory_space<vmem>>
        %dma_start3A_90 = tpu.memref_squeeze %dma_start3A_89 : memref<1x128xi32, #tpu.memory_space<vmem>> -> memref<128xi32, #tpu.memory_space<vmem>>
        %dma_start3A_91 = arith.constant 0 : i32
        %dma_start3A_92 = arith.constant 0 : i32
        %dma_start3A_93 = tpu.memref_slice %arg10[%dma_start3A_91, %dma_start3A_92] : memref<10240x128xf32, #tpu.memory_space<vmem_shared>> -> memref<10240x128xf32, #tpu.memory_space<vmem_shared>>
        tpu.enqueue_indirect_dma source(%arg8 : memref<128x128xf32, #tpu.memory_space<vmem>>) target(%dma_start3A_93 : memref<10240x128xf32, #tpu.memory_space<vmem_shared>>) offsets(%dma_start3A_90 : memref<128xi32, #tpu.memory_space<vmem>>) semaphore(%run_scoped3A_87 : memref<!tpu.dma_semaphore, #tpu.memory_space<semaphore_mem>>) {add = true}
        %dma_wait3A_94 = arith.constant 0 : i32
        %dma_wait3A_95 = tpu.memref_slice %arg7[%mul3A_60, %dma_wait3A_94] : memref<40x128xi32, #tpu.memory_space<vmem>> -> memref<1x128xi32, #tpu.memory_space<vmem>>
        %dma_wait3A_96 = tpu.memref_squeeze %dma_wait3A_95 : memref<1x128xi32, #tpu.memory_space<vmem>> -> memref<128xi32, #tpu.memory_space<vmem>>
        %dma_wait3A_97 = arith.constant 0 : i32
        %dma_wait3A_98 = arith.constant 0 : i32
        %dma_wait3A_99 = tpu.memref_slice %arg10[%dma_wait3A_97, %dma_wait3A_98] : memref<10240x128xf32, #tpu.memory_space<vmem_shared>> -> memref<10240x128xf32, #tpu.memory_space<vmem_shared>>
        tpu.wait_indirect_dma semaphore(%run_scoped3A_87 : memref<!tpu.dma_semaphore, #tpu.memory_space<semaphore_mem>>) src(%arg8 : memref<128x128xf32, #tpu.memory_space<vmem>>) dst(%dma_wait3A_99 : memref<10240x128xf32, #tpu.memory_space<vmem_shared>>)
        tpu.yield
      }) : () -> ()
      %add3A_66 = arith.constant 2 : i32
      %add3A_67 = arith.addi %mul3A_60, %add3A_66 : i32
      %lt3A = arith.constant 40 : i32
      %lt3A_68 = arith.cmpi slt, %add3A_67, %lt3A : i32
      %convert_element_type3A = arith.extui %lt3A_68 : i1 to i32
      %cond3A = arith.constant 0 : i32
      %cond3A_69 = arith.cmpi ne, %convert_element_type3A, %cond3A : i32
      scf.if %cond3A_69 {
        %add3A_87 = arith.constant 2 : i32
        %add3A_88 = arith.addi %mul3A_60, %add3A_87 : i32
        %dma_start3A_89 = arith.constant 0 : i32
        %dma_start3A_90 = tpu.memref_slice %arg6[%add3A_88, %dma_start3A_89] : memref<40x128xi32, #tpu.memory_space<vmem>> -> memref<1x128xi32, #tpu.memory_space<vmem>>
        %dma_start3A_91 = tpu.memref_squeeze %dma_start3A_90 : memref<1x128xi32, #tpu.memory_space<vmem>> -> memref<128xi32, #tpu.memory_space<vmem>>
        %dma_start3A_92 = arith.constant 0 : i32
        %dma_start3A_93 = arith.constant 0 : i32
        %dma_start3A_94 = tpu.memref_slice %arg2[%dma_start3A_92, %dma_start3A_93] : memref<10000x128xf32, #tpu.memory_space<hbm>> -> memref<10000x128xf32, #tpu.memory_space<hbm>>
        tpu.enqueue_indirect_dma source(%dma_start3A_94 : memref<10000x128xf32, #tpu.memory_space<hbm>>) target(%arg8 : memref<128x128xf32, #tpu.memory_space<vmem>>) offsets(%dma_start3A_91 : memref<128xi32, #tpu.memory_space<vmem>>) semaphore(%arg11 : memref<!tpu.dma_semaphore, #tpu.memory_space<semaphore_mem>>)
      } else {
      }
      %add3A_70 = arith.constant 1 : i32
      %add3A_71 = arith.addi %mul3A_60, %add3A_70 : i32
      %dma_wait3A_72 = arith.constant 0 : i32
      %dma_wait3A_73 = tpu.memref_slice %arg6[%add3A_71, %dma_wait3A_72] : memref<40x128xi32, #tpu.memory_space<vmem>> -> memref<1x128xi32, #tpu.memory_space<vmem>>
      %dma_wait3A_74 = tpu.memref_squeeze %dma_wait3A_73 : memref<1x128xi32, #tpu.memory_space<vmem>> -> memref<128xi32, #tpu.memory_space<vmem>>
      %dma_wait3A_75 = arith.constant 0 : i32
      %dma_wait3A_76 = arith.constant 0 : i32
      %dma_wait3A_77 = tpu.memref_slice %arg2[%dma_wait3A_75, %dma_wait3A_76] : memref<10000x128xf32, #tpu.memory_space<hbm>> -> memref<10000x128xf32, #tpu.memory_space<hbm>>
      tpu.wait_indirect_dma semaphore(%arg12 : memref<!tpu.dma_semaphore, #tpu.memory_space<semaphore_mem>>) src(%dma_wait3A_77 : memref<10000x128xf32, #tpu.memory_space<hbm>>) dst(%arg9 : memref<128x128xf32, #tpu.memory_space<vmem>>)
      %add3A_78 = arith.constant 1 : i32
      %add3A_79 = arith.addi %mul3A_60, %add3A_78 : i32
      "tpu.region"() ({
        %run_scoped3A_87 = tpu.sem_alloc : memref<!tpu.dma_semaphore, #tpu.memory_space<semaphore_mem>>
        %dma_start3A_88 = arith.constant 0 : i32
        %dma_start3A_89 = tpu.memref_slice %arg7[%add3A_79, %dma_start3A_88] : memref<40x128xi32, #tpu.memory_space<vmem>> -> memref<1x128xi32, #tpu.memory_space<vmem>>
        %dma_start3A_90 = tpu.memref_squeeze %dma_start3A_89 : memref<1x128xi32, #tpu.memory_space<vmem>> -> memref<128xi32, #tpu.memory_space<vmem>>
        %dma_start3A_91 = arith.constant 0 : i32
        %dma_start3A_92 = arith.constant 0 : i32
        %dma_start3A_93 = tpu.memref_slice %arg10[%dma_start3A_91, %dma_start3A_92] : memref<10240x128xf32, #tpu.memory_space<vmem_shared>> -> memref<10240x128xf32, #tpu.memory_space<vmem_shared>>
        tpu.enqueue_indirect_dma source(%arg9 : memref<128x128xf32, #tpu.memory_space<vmem>>) target(%dma_start3A_93 : memref<10240x128xf32, #tpu.memory_space<vmem_shared>>) offsets(%dma_start3A_90 : memref<128xi32, #tpu.memory_space<vmem>>) semaphore(%run_scoped3A_87 : memref<!tpu.dma_semaphore, #tpu.memory_space<semaphore_mem>>) {add = true}
        %dma_wait3A_94 = arith.constant 0 : i32
        %dma_wait3A_95 = tpu.memref_slice %arg7[%add3A_79, %dma_wait3A_94] : memref<40x128xi32, #tpu.memory_space<vmem>> -> memref<1x128xi32, #tpu.memory_space<vmem>>
        %dma_wait3A_96 = tpu.memref_squeeze %dma_wait3A_95 : memref<1x128xi32, #tpu.memory_space<vmem>> -> memref<128xi32, #tpu.memory_space<vmem>>
        %dma_wait3A_97 = arith.constant 0 : i32
        %dma_wait3A_98 = arith.constant 0 : i32
        %dma_wait3A_99 = tpu.memref_slice %arg10[%dma_wait3A_97, %dma_wait3A_98] : memref<10240x128xf32, #tpu.memory_space<vmem_shared>> -> memref<10240x128xf32, #tpu.memory_space<vmem_shared>>
        tpu.wait_indirect_dma semaphore(%run_scoped3A_87 : memref<!tpu.dma_semaphore, #tpu.memory_space<semaphore_mem>>) src(%arg9 : memref<128x128xf32, #tpu.memory_space<vmem>>) dst(%dma_wait3A_99 : memref<10240x128xf32, #tpu.memory_space<vmem_shared>>)
        tpu.yield
      }) : () -> ()
      %add3A_80 = arith.constant 3 : i32
      %add3A_81 = arith.addi %mul3A_60, %add3A_80 : i32
      %lt3A_82 = arith.constant 40 : i32
      %lt3A_83 = arith.cmpi slt, %add3A_81, %lt3A_82 : i32
      %convert_element_type3A_84 = arith.extui %lt3A_83 : i1 to i32
      %cond3A_85 = arith.constant 0 : i32
      %cond3A_86 = arith.cmpi ne, %convert_element_type3A_84, %cond3A_85 : i32
      scf.if %cond3A_86 {
        %add3A_87 = arith.constant 3 : i32
        %add3A_88 = arith.addi %mul3A_60, %add3A_87 : i32
        %dma_start3A_89 = arith.constant 0 : i32
        %dma_start3A_90 = tpu.memref_slice %arg6[%add3A_88, %dma_start3A_89] : memref<40x128xi32, #tpu.memory_space<vmem>> -> memref<1x128xi32, #tpu.memory_space<vmem>>
        %dma_start3A_91 = tpu.memref_squeeze %dma_start3A_90 : memref<1x128xi32, #tpu.memory_space<vmem>> -> memref<128xi32, #tpu.memory_space<vmem>>
        %dma_start3A_92 = arith.constant 0 : i32
        %dma_start3A_93 = arith.constant 0 : i32
        %dma_start3A_94 = tpu.memref_slice %arg2[%dma_start3A_92, %dma_start3A_93] : memref<10000x128xf32, #tpu.memory_space<hbm>> -> memref<10000x128xf32, #tpu.memory_space<hbm>>
        tpu.enqueue_indirect_dma source(%dma_start3A_94 : memref<10000x128xf32, #tpu.memory_space<hbm>>) target(%arg9 : memref<128x128xf32, #tpu.memory_space<vmem>>) offsets(%dma_start3A_91 : memref<128xi32, #tpu.memory_space<vmem>>) semaphore(%arg12 : memref<!tpu.dma_semaphore, #tpu.memory_space<semaphore_mem>>)
      } else {
      }
    }
    %scan3A_52 = arith.constant 20 : i32
    %barrier3A_53 = arith.constant 0 : index
    tpu.barrier barrier_id(%barrier3A_53)
    %mul3A_54 = arith.constant 640 : i32
    %mul3A_55 = arith.muli %arg1, %mul3A_54 : i32
    %mul3A_56 = arith.constant 640 : i32
    %mul3A_57 = arith.muli %arg1, %mul3A_56 : i32
    "tpu.region"() ({
      %run_scoped3A_58 = tpu.sem_alloc : memref<!tpu.dma_semaphore, #tpu.memory_space<semaphore_mem>>
      %dma_start3A_59 = arith.constant 0 : i32
      %dma_start3A_60 = tpu.memref_slice %arg5[%arg0, %mul3A_57, %dma_start3A_59] : memref<2x10240x128xf32, #tpu.memory_space<hbm>> -> memref<1x640x128xf32, #tpu.memory_space<hbm>>
      %dma_start3A_61 = tpu.memref_squeeze %dma_start3A_60 : memref<1x640x128xf32, #tpu.memory_space<hbm>> -> memref<640x128xf32, #tpu.memory_space<hbm>>
      %dma_start3A_62 = arith.constant 0 : i32
      %dma_start3A_63 = tpu.memref_slice %arg10[%mul3A_55, %dma_start3A_62] : memref<10240x128xf32, #tpu.memory_space<vmem_shared>> -> memref<640x128xf32, #tpu.memory_space<vmem_shared>>
      tpu.enqueue_dma source(%dma_start3A_63 : memref<640x128xf32, #tpu.memory_space<vmem_shared>>) target(%dma_start3A_61 : memref<640x128xf32, #tpu.memory_space<hbm>>) target_semaphore(%run_scoped3A_58 : memref<!tpu.dma_semaphore, #tpu.memory_space<semaphore_mem>>)
      %dma_wait3A = arith.constant 0 : i32
      %dma_wait3A_64 = tpu.memref_slice %arg5[%arg0, %mul3A_57, %dma_wait3A] : memref<2x10240x128xf32, #tpu.memory_space<hbm>> -> memref<1x640x128xf32, #tpu.memory_space<hbm>>
      %dma_wait3A_65 = tpu.memref_squeeze %dma_wait3A_64 : memref<1x640x128xf32, #tpu.memory_space<hbm>> -> memref<640x128xf32, #tpu.memory_space<hbm>>
      %dma_wait3A_66 = arith.constant 0 : i32
      %dma_wait3A_67 = tpu.memref_slice %arg10[%mul3A_55, %dma_wait3A_66] : memref<10240x128xf32, #tpu.memory_space<vmem_shared>> -> memref<640x128xf32, #tpu.memory_space<vmem_shared>>
      tpu.wait_dma2 semaphore(%run_scoped3A_58 : memref<!tpu.dma_semaphore, #tpu.memory_space<semaphore_mem>>) src(%dma_wait3A_67 : memref<640x128xf32, #tpu.memory_space<vmem_shared>>) dst(%dma_wait3A_65 : memref<640x128xf32, #tpu.memory_space<hbm>>)
      tpu.yield
    }) : () -> ()
    return
  }
}

module attributes {stable_mosaic.version = 14 : i64} {
  func.func @_tc_body(%arg0: i32, %arg1: memref<2000x128xf32, #tpu.memory_space<vmem>>, %arg2: memref<1x2000x128xf32, #tpu.memory_space<vmem>>, %arg3: memref<1x2000x128xf32, #tpu.memory_space<vmem>>, %arg4: memref<128x128xf32, #tpu.memory_space<vmem>>, %arg5: memref<128x128xf32, #tpu.memory_space<vmem>>, %arg6: memref<128x128xf32, #tpu.memory_space<vmem>>, %arg7: memref<11x128xf32, #tpu.memory_space<vmem>>, %arg8: memref<128x1xf32, #tpu.memory_space<vmem>>, %arg9: memref<128x1xf32, #tpu.memory_space<vmem>>, %arg10: memref<2000x128xf32, #tpu.memory_space<vmem>>, %arg11: memref<1x1xf32, #tpu.memory_space<vmem>>) attributes {dimension_semantics = [#tpu.dimension_semantics<arbitrary>], iteration_bounds = array<i64: 5>, scalar_prefetch = 0 : i64, scratch_operands = 0 : i64, tpu.core_type = #tpu.core_type<tc>, window_params = [{transform_indices = @transform_0, window_bounds = array<i64: 2000, 128>}, {transform_indices = @transform_1, window_bounds = array<i64: 1, 2000, 128>}, {transform_indices = @transform_2, window_bounds = array<i64: 1, 2000, 128>}, {pipeline_mode = #tpu.pipeline_mode<synchronous>, transform_indices = @transform_3, window_bounds = array<i64: 128, 128>}, {pipeline_mode = #tpu.pipeline_mode<synchronous>, transform_indices = @transform_4, window_bounds = array<i64: 128, 128>}, {pipeline_mode = #tpu.pipeline_mode<synchronous>, transform_indices = @transform_5, window_bounds = array<i64: 128, 128>}, {pipeline_mode = #tpu.pipeline_mode<synchronous>, transform_indices = @transform_6, window_bounds = array<i64: 11, 128>}, {pipeline_mode = #tpu.pipeline_mode<synchronous>, transform_indices = @transform_7, window_bounds = array<i64: 128, 1>}, {pipeline_mode = #tpu.pipeline_mode<synchronous>, transform_indices = @transform_8, window_bounds = array<i64: 128, 1>}, {transform_indices = @transform_9, window_bounds = array<i64: 2000, 128>}, {pipeline_mode = #tpu.pipeline_mode<synchronous>, transform_indices = @transform_10, window_bounds = array<i64: 1, 1>}]} {
    %get3A = arith.constant 0 : index
    %get3A_0 = arith.constant 0 : index
    %get3A_1 = vector.load %arg7[%get3A, %get3A_0] : memref<11x128xf32, #tpu.memory_space<vmem>>, vector<11x128xf32>
    %get3A_2 = arith.constant 0 : index
    %get3A_3 = arith.constant 0 : index
    %get3A_4 = vector.load %arg1[%get3A_2, %get3A_3] : memref<2000x128xf32, #tpu.memory_space<vmem>>, vector<2000x128xf32>
    %slice3A = vector.extract_strided_slice %get3A_1 {offsets = [0, 0], sizes = [1, 128], strides = [1, 1]} : vector<11x128xf32> to vector<1x128xf32>
    %add3A = arith.constant 1.000000e+00 : f32
    %add3A_5 = vector.broadcast %add3A : f32 to vector<1x128xf32>
    %add3A_6 = arith.addf %add3A_5, %slice3A : vector<1x128xf32>
    %mul3A = vector.broadcast %add3A_6 : vector<1x128xf32> to vector<2000x128xf32>
    %mul3A_7 = arith.mulf %get3A_4, %mul3A : vector<2000x128xf32>
    %get3A_8 = arith.constant 0 : index
    %get3A_9 = arith.constant 0 : index
    %get3A_10 = arith.constant 0 : index
    %get3A_11 = vector.load %arg2[%get3A_8, %get3A_9, %get3A_10] : memref<1x2000x128xf32, #tpu.memory_space<vmem>>, vector<1x2000x128xf32>
    %get3A_12 = vector.shape_cast %get3A_11 : vector<1x2000x128xf32> to vector<2000x128xf32>
    %add3A_13 = arith.addf %mul3A_7, %get3A_12 : vector<2000x128xf32>
    %get3A_14 = arith.constant 0 : index
    %get3A_15 = arith.constant 0 : index
    %get3A_16 = arith.constant 0 : index
    %get3A_17 = vector.load %arg3[%get3A_14, %get3A_15, %get3A_16] : memref<1x2000x128xf32, #tpu.memory_space<vmem>>, vector<1x2000x128xf32>
    %get3A_18 = vector.shape_cast %get3A_17 : vector<1x2000x128xf32> to vector<2000x128xf32>
    %add3A_19 = arith.addf %add3A_13, %get3A_18 : vector<2000x128xf32>
    %get3A_20 = arith.constant 0 : index
    %get3A_21 = arith.constant 0 : index
    %get3A_22 = vector.load %arg4[%get3A_20, %get3A_21] : memref<128x128xf32, #tpu.memory_space<vmem>>, vector<128x128xf32>
    %get3A_23 = arith.constant 0 : index
    %get3A_24 = arith.constant 0 : index
    %get3A_25 = vector.load %arg5[%get3A_23, %get3A_24] : memref<128x128xf32, #tpu.memory_space<vmem>>, vector<128x128xf32>
    %dot_general3A = arith.constant dense<0.000000e+00> : vector<128x128xf32>
    %dot_general3A_26 = tpu.matmul %get3A_22, %get3A_25, %dot_general3A {dimension_numbers = #tpu.dot_dimension_numbers<[1], [0], [0], [1], [0, 0, 1, 1], [], []>, precision = #tpu.contract_precision<fp32>, transpose_lhs_hint = false} : vector<128x128xf32>, vector<128x128xf32>, vector<128x128xf32> -> vector<128x128xf32>
    %dot_general3A_27 = arith.constant dense<0.000000e+00> : vector<2000x128xf32>
    %dot_general3A_28 = tpu.matmul %add3A_19, %dot_general3A_26, %dot_general3A_27 {dimension_numbers = #tpu.dot_dimension_numbers<[1], [0], [0], [1], [0, 0, 1, 1], [], []>, precision = #tpu.contract_precision<fp32>, transpose_lhs_hint = false} : vector<2000x128xf32>, vector<128x128xf32>, vector<2000x128xf32> -> vector<2000x128xf32>
    %slice3A_29 = vector.extract_strided_slice %get3A_1 {offsets = [1, 0], sizes = [1, 128], strides = [1, 1]} : vector<11x128xf32> to vector<1x128xf32>
    %add3A_30 = vector.broadcast %slice3A_29 : vector<1x128xf32> to vector<2000x128xf32>
    %add3A_31 = arith.addf %dot_general3A_28, %add3A_30 : vector<2000x128xf32>
    %add3A_32 = arith.addf %add3A_19, %add3A_31 : vector<2000x128xf32>
    %slice3A_33 = vector.extract_strided_slice %get3A_1 {offsets = [3, 0], sizes = [1, 128], strides = [1, 1]} : vector<11x128xf32> to vector<1x128xf32>
    %slice3A_34 = vector.extract_strided_slice %get3A_1 {offsets = [4, 0], sizes = [1, 128], strides = [1, 1]} : vector<11x128xf32> to vector<1x128xf32>
    %reduce_sum3A = arith.constant dense<0.000000e+00> : vector<2000xf32>
    %reduce_sum3A_35 = vector.multi_reduction <add>, %add3A_32, %reduce_sum3A [1] : vector<2000x128xf32> to vector<2000xf32>
    %broadcast_in_dim3A = vector.shape_cast %reduce_sum3A_35 : vector<2000xf32> to vector<2000x1xf32>
    %div3A = arith.constant 1.280000e+02 : f32
    %div3A_36 = vector.broadcast %div3A : f32 to vector<2000x1xf32>
    %div3A_37 = arith.divf %broadcast_in_dim3A, %div3A_36 : vector<2000x1xf32>
    %sub3A = vector.broadcast %div3A_37 : vector<2000x1xf32> to vector<2000x128xf32>
    %sub3A_38 = arith.subf %add3A_32, %sub3A : vector<2000x128xf32>
    %integer_pow3A = arith.mulf %sub3A_38, %sub3A_38 : vector<2000x128xf32>
    %reduce_sum3A_39 = arith.constant dense<0.000000e+00> : vector<2000xf32>
    %reduce_sum3A_40 = vector.multi_reduction <add>, %integer_pow3A, %reduce_sum3A_39 [1] : vector<2000x128xf32> to vector<2000xf32>
    %broadcast_in_dim3A_41 = vector.shape_cast %reduce_sum3A_40 : vector<2000xf32> to vector<2000x1xf32>
    %div3A_42 = arith.constant 1.280000e+02 : f32
    %div3A_43 = vector.broadcast %div3A_42 : f32 to vector<2000x1xf32>
    %div3A_44 = arith.divf %broadcast_in_dim3A_41, %div3A_43 : vector<2000x1xf32>
    %sub3A_45 = vector.broadcast %div3A_37 : vector<2000x1xf32> to vector<2000x128xf32>
    %sub3A_46 = arith.subf %add3A_32, %sub3A_45 : vector<2000x128xf32>
    %add3A_47 = arith.constant 9.99999974E-6 : f32
    %add3A_48 = vector.broadcast %add3A_47 : f32 to vector<2000x1xf32>
    %add3A_49 = arith.addf %div3A_44, %add3A_48 : vector<2000x1xf32>
    %rsqrt3A = math.rsqrt %add3A_49 : vector<2000x1xf32>
    %mul3A_50 = vector.broadcast %rsqrt3A : vector<2000x1xf32> to vector<2000x128xf32>
    %mul3A_51 = arith.mulf %sub3A_46, %mul3A_50 : vector<2000x128xf32>
    %mul3A_52 = vector.broadcast %slice3A_33 : vector<1x128xf32> to vector<2000x128xf32>
    %mul3A_53 = arith.mulf %mul3A_51, %mul3A_52 : vector<2000x128xf32>
    %add3A_54 = vector.broadcast %slice3A_34 : vector<1x128xf32> to vector<2000x128xf32>
    %add3A_55 = arith.addf %mul3A_53, %add3A_54 : vector<2000x128xf32>
    %get3A_56 = arith.constant 0 : index
    %get3A_57 = arith.constant 0 : index
    %get3A_58 = vector.load %arg6[%get3A_56, %get3A_57] : memref<128x128xf32, #tpu.memory_space<vmem>>, vector<128x128xf32>
    %dot_general3A_59 = arith.constant dense<0.000000e+00> : vector<2000x128xf32>
    %dot_general3A_60 = tpu.matmul %add3A_55, %get3A_58, %dot_general3A_59 {dimension_numbers = #tpu.dot_dimension_numbers<[1], [0], [0], [1], [0, 0, 1, 1], [], []>, precision = #tpu.contract_precision<fp32>, transpose_lhs_hint = false} : vector<2000x128xf32>, vector<128x128xf32>, vector<2000x128xf32> -> vector<2000x128xf32>
    %slice3A_61 = vector.extract_strided_slice %get3A_1 {offsets = [2, 0], sizes = [1, 128], strides = [1, 1]} : vector<11x128xf32> to vector<1x128xf32>
    %add3A_62 = vector.broadcast %slice3A_61 : vector<1x128xf32> to vector<2000x128xf32>
    %add3A_63 = arith.addf %dot_general3A_60, %add3A_62 : vector<2000x128xf32>
    %max3A = arith.constant 0.000000e+00 : f32
    %max3A_64 = vector.broadcast %max3A : f32 to vector<2000x128xf32>
    %max3A_65 = arith.maximumf %add3A_63, %max3A_64 : vector<2000x128xf32>
    %add3A_66 = arith.addf %add3A_55, %max3A_65 : vector<2000x128xf32>
    %slice3A_67 = vector.extract_strided_slice %get3A_1 {offsets = [5, 0], sizes = [1, 128], strides = [1, 1]} : vector<11x128xf32> to vector<1x128xf32>
    %slice3A_68 = vector.extract_strided_slice %get3A_1 {offsets = [6, 0], sizes = [1, 128], strides = [1, 1]} : vector<11x128xf32> to vector<1x128xf32>
    %reduce_sum3A_69 = arith.constant dense<0.000000e+00> : vector<2000xf32>
    %reduce_sum3A_70 = vector.multi_reduction <add>, %add3A_66, %reduce_sum3A_69 [1] : vector<2000x128xf32> to vector<2000xf32>
    %broadcast_in_dim3A_71 = vector.shape_cast %reduce_sum3A_70 : vector<2000xf32> to vector<2000x1xf32>
    %div3A_72 = arith.constant 1.280000e+02 : f32
    %div3A_73 = vector.broadcast %div3A_72 : f32 to vector<2000x1xf32>
    %div3A_74 = arith.divf %broadcast_in_dim3A_71, %div3A_73 : vector<2000x1xf32>
    %sub3A_75 = vector.broadcast %div3A_74 : vector<2000x1xf32> to vector<2000x128xf32>
    %sub3A_76 = arith.subf %add3A_66, %sub3A_75 : vector<2000x128xf32>
    %integer_pow3A_77 = arith.mulf %sub3A_76, %sub3A_76 : vector<2000x128xf32>
    %reduce_sum3A_78 = arith.constant dense<0.000000e+00> : vector<2000xf32>
    %reduce_sum3A_79 = vector.multi_reduction <add>, %integer_pow3A_77, %reduce_sum3A_78 [1] : vector<2000x128xf32> to vector<2000xf32>
    %broadcast_in_dim3A_80 = vector.shape_cast %reduce_sum3A_79 : vector<2000xf32> to vector<2000x1xf32>
    %div3A_81 = arith.constant 1.280000e+02 : f32
    %div3A_82 = vector.broadcast %div3A_81 : f32 to vector<2000x1xf32>
    %div3A_83 = arith.divf %broadcast_in_dim3A_80, %div3A_82 : vector<2000x1xf32>
    %sub3A_84 = vector.broadcast %div3A_74 : vector<2000x1xf32> to vector<2000x128xf32>
    %sub3A_85 = arith.subf %add3A_66, %sub3A_84 : vector<2000x128xf32>
    %add3A_86 = arith.constant 9.99999974E-6 : f32
    %add3A_87 = vector.broadcast %add3A_86 : f32 to vector<2000x1xf32>
    %add3A_88 = arith.addf %div3A_83, %add3A_87 : vector<2000x1xf32>
    %rsqrt3A_89 = math.rsqrt %add3A_88 : vector<2000x1xf32>
    %mul3A_90 = vector.broadcast %rsqrt3A_89 : vector<2000x1xf32> to vector<2000x128xf32>
    %mul3A_91 = arith.mulf %sub3A_85, %mul3A_90 : vector<2000x128xf32>
    %mul3A_92 = vector.broadcast %slice3A_67 : vector<1x128xf32> to vector<2000x128xf32>
    %mul3A_93 = arith.mulf %mul3A_91, %mul3A_92 : vector<2000x128xf32>
    %add3A_94 = vector.broadcast %slice3A_68 : vector<1x128xf32> to vector<2000x128xf32>
    %add3A_95 = arith.addf %mul3A_93, %add3A_94 : vector<2000x128xf32>
    %slice3A_96 = vector.extract_strided_slice %get3A_1 {offsets = [7, 0], sizes = [1, 128], strides = [1, 1]} : vector<11x128xf32> to vector<1x128xf32>
    %slice3A_97 = vector.extract_strided_slice %get3A_1 {offsets = [8, 0], sizes = [1, 128], strides = [1, 1]} : vector<11x128xf32> to vector<1x128xf32>
    %reduce_sum3A_98 = arith.constant dense<0.000000e+00> : vector<2000xf32>
    %reduce_sum3A_99 = vector.multi_reduction <add>, %add3A_95, %reduce_sum3A_98 [1] : vector<2000x128xf32> to vector<2000xf32>
    %broadcast_in_dim3A_100 = vector.shape_cast %reduce_sum3A_99 : vector<2000xf32> to vector<2000x1xf32>
    %div3A_101 = arith.constant 1.280000e+02 : f32
    %div3A_102 = vector.broadcast %div3A_101 : f32 to vector<2000x1xf32>
    %div3A_103 = arith.divf %broadcast_in_dim3A_100, %div3A_102 : vector<2000x1xf32>
    %sub3A_104 = vector.broadcast %div3A_103 : vector<2000x1xf32> to vector<2000x128xf32>
    %sub3A_105 = arith.subf %add3A_95, %sub3A_104 : vector<2000x128xf32>
    %integer_pow3A_106 = arith.mulf %sub3A_105, %sub3A_105 : vector<2000x128xf32>
    %reduce_sum3A_107 = arith.constant dense<0.000000e+00> : vector<2000xf32>
    %reduce_sum3A_108 = vector.multi_reduction <add>, %integer_pow3A_106, %reduce_sum3A_107 [1] : vector<2000x128xf32> to vector<2000xf32>
    %broadcast_in_dim3A_109 = vector.shape_cast %reduce_sum3A_108 : vector<2000xf32> to vector<2000x1xf32>
    %div3A_110 = arith.constant 1.280000e+02 : f32
    %div3A_111 = vector.broadcast %div3A_110 : f32 to vector<2000x1xf32>
    %div3A_112 = arith.divf %broadcast_in_dim3A_109, %div3A_111 : vector<2000x1xf32>
    %sub3A_113 = vector.broadcast %div3A_103 : vector<2000x1xf32> to vector<2000x128xf32>
    %sub3A_114 = arith.subf %add3A_95, %sub3A_113 : vector<2000x128xf32>
    %add3A_115 = arith.constant 9.99999974E-6 : f32
    %add3A_116 = vector.broadcast %add3A_115 : f32 to vector<2000x1xf32>
    %add3A_117 = arith.addf %div3A_112, %add3A_116 : vector<2000x1xf32>
    %rsqrt3A_118 = math.rsqrt %add3A_117 : vector<2000x1xf32>
    %mul3A_119 = vector.broadcast %rsqrt3A_118 : vector<2000x1xf32> to vector<2000x128xf32>
    %mul3A_120 = arith.mulf %sub3A_114, %mul3A_119 : vector<2000x128xf32>
    %mul3A_121 = vector.broadcast %slice3A_96 : vector<1x128xf32> to vector<2000x128xf32>
    %mul3A_122 = arith.mulf %mul3A_120, %mul3A_121 : vector<2000x128xf32>
    %add3A_123 = vector.broadcast %slice3A_97 : vector<1x128xf32> to vector<2000x128xf32>
    %add3A_124 = arith.addf %mul3A_122, %add3A_123 : vector<2000x128xf32>
    %max3A_125 = arith.constant 0.000000e+00 : f32
    %max3A_126 = vector.broadcast %max3A_125 : f32 to vector<2000x128xf32>
    %max3A_127 = arith.maximumf %add3A_124, %max3A_126 : vector<2000x128xf32>
    %slice3A_128 = vector.extract_strided_slice %get3A_1 {offsets = [9, 0], sizes = [1, 128], strides = [1, 1]} : vector<11x128xf32> to vector<1x128xf32>
    %slice3A_129 = vector.extract_strided_slice %get3A_1 {offsets = [10, 0], sizes = [1, 128], strides = [1, 1]} : vector<11x128xf32> to vector<1x128xf32>
    %reduce_sum3A_130 = arith.constant dense<0.000000e+00> : vector<2000xf32>
    %reduce_sum3A_131 = vector.multi_reduction <add>, %max3A_127, %reduce_sum3A_130 [1] : vector<2000x128xf32> to vector<2000xf32>
    %broadcast_in_dim3A_132 = vector.shape_cast %reduce_sum3A_131 : vector<2000xf32> to vector<2000x1xf32>
    %div3A_133 = arith.constant 1.280000e+02 : f32
    %div3A_134 = vector.broadcast %div3A_133 : f32 to vector<2000x1xf32>
    %div3A_135 = arith.divf %broadcast_in_dim3A_132, %div3A_134 : vector<2000x1xf32>
    %sub3A_136 = vector.broadcast %div3A_135 : vector<2000x1xf32> to vector<2000x128xf32>
    %sub3A_137 = arith.subf %max3A_127, %sub3A_136 : vector<2000x128xf32>
    %integer_pow3A_138 = arith.mulf %sub3A_137, %sub3A_137 : vector<2000x128xf32>
    %reduce_sum3A_139 = arith.constant dense<0.000000e+00> : vector<2000xf32>
    %reduce_sum3A_140 = vector.multi_reduction <add>, %integer_pow3A_138, %reduce_sum3A_139 [1] : vector<2000x128xf32> to vector<2000xf32>
    %broadcast_in_dim3A_141 = vector.shape_cast %reduce_sum3A_140 : vector<2000xf32> to vector<2000x1xf32>
    %div3A_142 = arith.constant 1.280000e+02 : f32
    %div3A_143 = vector.broadcast %div3A_142 : f32 to vector<2000x1xf32>
    %div3A_144 = arith.divf %broadcast_in_dim3A_141, %div3A_143 : vector<2000x1xf32>
    %sub3A_145 = vector.broadcast %div3A_135 : vector<2000x1xf32> to vector<2000x128xf32>
    %sub3A_146 = arith.subf %max3A_127, %sub3A_145 : vector<2000x128xf32>
    %add3A_147 = arith.constant 9.99999974E-6 : f32
    %add3A_148 = vector.broadcast %add3A_147 : f32 to vector<2000x1xf32>
    %add3A_149 = arith.addf %div3A_144, %add3A_148 : vector<2000x1xf32>
    %rsqrt3A_150 = math.rsqrt %add3A_149 : vector<2000x1xf32>
    %mul3A_151 = vector.broadcast %rsqrt3A_150 : vector<2000x1xf32> to vector<2000x128xf32>
    %mul3A_152 = arith.mulf %sub3A_146, %mul3A_151 : vector<2000x128xf32>
    %mul3A_153 = vector.broadcast %slice3A_128 : vector<1x128xf32> to vector<2000x128xf32>
    %mul3A_154 = arith.mulf %mul3A_152, %mul3A_153 : vector<2000x128xf32>
    %add3A_155 = vector.broadcast %slice3A_129 : vector<1x128xf32> to vector<2000x128xf32>
    %add3A_156 = arith.addf %mul3A_154, %add3A_155 : vector<2000x128xf32>
    %max3A_157 = arith.constant 0.000000e+00 : f32
    %max3A_158 = vector.broadcast %max3A_157 : f32 to vector<2000x128xf32>
    %max3A_159 = arith.maximumf %add3A_156, %max3A_158 : vector<2000x128xf32>
    %swap3A = arith.constant 0 : index
    %swap3A_160 = arith.constant 0 : index
    %swap3A_161 = vector.load %arg10[%swap3A, %swap3A_160] : memref<2000x128xf32, #tpu.memory_space<vmem>>, vector<2000x128xf32>
    tpu.vector_store %arg10[%swap3A, %swap3A_160], %max3A_159 {strides = array<i32>} : memref<2000x128xf32, #tpu.memory_space<vmem>>, vector<2000x128xf32>,
    %get3A_162 = arith.constant 0 : index
    %get3A_163 = arith.constant 0 : index
    %get3A_164 = vector.load %arg8[%get3A_162, %get3A_163] : memref<128x1xf32, #tpu.memory_space<vmem>>, vector<128x1xf32>
    %dot_general3A_165 = arith.constant dense<0.000000e+00> : vector<2000x1xf32>
    %dot_general3A_166 = tpu.matmul %get3A_4, %get3A_164, %dot_general3A_165 {dimension_numbers = #tpu.dot_dimension_numbers<[1], [0], [0], [1], [0, 0, 1, 1], [], []>, precision = #tpu.contract_precision<fp32>, transpose_lhs_hint = false} : vector<2000x128xf32>, vector<128x1xf32>, vector<2000x1xf32> -> vector<2000x1xf32>
    %reduce_sum3A_167 = vector.shape_cast %dot_general3A_166 : vector<2000x1xf32> to vector<1x2000x1xf32>
    %reduce_sum3A_168 = arith.constant dense<0.000000e+00> : vector<1xf32>
    %reduce_sum3A_169 = vector.multi_reduction <add>, %reduce_sum3A_167, %reduce_sum3A_168 [1, 2] : vector<1x2000x1xf32> to vector<1xf32>
    %reduce_sum3A_170 = vector.shape_cast %reduce_sum3A_169 : vector<1xf32> to vector<1x1x1xf32>
    %reduce_sum3A_171 = vector.extract %reduce_sum3A_170[0, 0, 0] : f32 from vector<1x1x1xf32>
    %get3A_172 = arith.constant 0 : index
    %get3A_173 = arith.constant 0 : index
    %get3A_174 = vector.load %arg9[%get3A_172, %get3A_173] : memref<128x1xf32, #tpu.memory_space<vmem>>, vector<128x1xf32>
    %dot_general3A_175 = arith.constant dense<0.000000e+00> : vector<2000x1xf32>
    %dot_general3A_176 = tpu.matmul %max3A_159, %get3A_174, %dot_general3A_175 {dimension_numbers = #tpu.dot_dimension_numbers<[1], [0], [0], [1], [0, 0, 1, 1], [], []>, precision = #tpu.contract_precision<fp32>, transpose_lhs_hint = false} : vector<2000x128xf32>, vector<128x1xf32>, vector<2000x1xf32> -> vector<2000x1xf32>
    %reduce_sum3A_177 = vector.shape_cast %dot_general3A_176 : vector<2000x1xf32> to vector<1x2000x1xf32>
    %reduce_sum3A_178 = arith.constant dense<0.000000e+00> : vector<1xf32>
    %reduce_sum3A_179 = vector.multi_reduction <add>, %reduce_sum3A_177, %reduce_sum3A_178 [1, 2] : vector<1x2000x1xf32> to vector<1xf32>
    %reduce_sum3A_180 = vector.shape_cast %reduce_sum3A_179 : vector<1xf32> to vector<1x1x1xf32>
    %reduce_sum3A_181 = vector.extract %reduce_sum3A_180[0, 0, 0] : f32 from vector<1x1x1xf32>
    %add3A_182 = arith.addf %reduce_sum3A_171, %reduce_sum3A_181 : f32
    %eq3A = arith.constant 0 : i32
    %eq3A_183 = arith.cmpi eq, %arg0, %eq3A : i32
    %convert_element_type3A = arith.extui %eq3A_183 : i1 to i32
    %cond3A = arith.constant 0 : i32
    %cond3A_184 = arith.cmpi ne, %convert_element_type3A, %cond3A : i32
    scf.if %cond3A_184 {
      %broadcast_in_dim3A_192 = arith.constant 0.000000e+00 : f32
      %broadcast_in_dim3A_193 = vector.broadcast %broadcast_in_dim3A_192 : f32 to vector<1x1xf32>
      %swap3A_194 = arith.constant 0 : index
      %swap3A_195 = arith.constant 0 : index
      %swap3A_196 = vector.load %arg11[%swap3A_194, %swap3A_195] : memref<1x1xf32, #tpu.memory_space<vmem>>, vector<1x1xf32>
      tpu.vector_store %arg11[%swap3A_194, %swap3A_195], %broadcast_in_dim3A_193 {strides = array<i32>} : memref<1x1xf32, #tpu.memory_space<vmem>>, vector<1x1xf32>,
    } else {
    }
    %get3A_185 = arith.constant 0 : index
    %get3A_186 = arith.constant 0 : index
    %get3A_187 = vector.load %arg11[%get3A_185, %get3A_186] : memref<1x1xf32, #tpu.memory_space<vmem>>, vector<1x1xf32>
    %reshape3A = vector.broadcast %add3A_182 : f32 to vector<1x1xf32>
    %add3A_188 = arith.addf %get3A_187, %reshape3A : vector<1x1xf32>
    %swap3A_189 = arith.constant 0 : index
    %swap3A_190 = arith.constant 0 : index
    %swap3A_191 = vector.load %arg11[%swap3A_189, %swap3A_190] : memref<1x1xf32, #tpu.memory_space<vmem>>, vector<1x1xf32>
    tpu.vector_store %arg11[%swap3A_189, %swap3A_190], %add3A_188 {strides = array<i32>} : memref<1x1xf32, #tpu.memory_space<vmem>>, vector<1x1xf32>,
    return
  }
  func.func @transform_0(%arg0: i32) -> (i32, i32) {
    %c0_i32 = arith.constant 0 : i32
    %c0_i32_0 = arith.constant 0 : i32
    return %arg0, %c0_i32 : i32, i32
  }
  func.func @transform_1(%arg0: i32) -> (i32, i32, i32) {
    %c0_i32 = arith.constant 0 : i32
    %c0_i32_0 = arith.constant 0 : i32
    %c0_i32_1 = arith.constant 0 : i32
    return %c0_i32, %arg0, %c0_i32_0 : i32, i32, i32
  }
  func.func @transform_2(%arg0: i32) -> (i32, i32, i32) {
    %c1_i32 = arith.constant 1 : i32
    %c0_i32 = arith.constant 0 : i32
    %c0_i32_0 = arith.constant 0 : i32
    return %c1_i32, %arg0, %c0_i32 : i32, i32, i32
  }
  func.func @transform_3(%arg0: i32) -> (i32, i32) {
    %c0_i32 = arith.constant 0 : i32
    %c0_i32_0 = arith.constant 0 : i32
    %c0_i32_1 = arith.constant 0 : i32
    return %c0_i32, %c0_i32_0 : i32, i32
  }
  func.func @transform_4(%arg0: i32) -> (i32, i32) {
    %c0_i32 = arith.constant 0 : i32
    %c0_i32_0 = arith.constant 0 : i32
    %c0_i32_1 = arith.constant 0 : i32
    return %c0_i32, %c0_i32_0 : i32, i32
  }
  func.func @transform_5(%arg0: i32) -> (i32, i32) {
    %c0_i32 = arith.constant 0 : i32
    %c0_i32_0 = arith.constant 0 : i32
    %c0_i32_1 = arith.constant 0 : i32
    return %c0_i32, %c0_i32_0 : i32, i32
  }
  func.func @transform_6(%arg0: i32) -> (i32, i32) {
    %c0_i32 = arith.constant 0 : i32
    %c0_i32_0 = arith.constant 0 : i32
    %c0_i32_1 = arith.constant 0 : i32
    return %c0_i32, %c0_i32_0 : i32, i32
  }
  func.func @transform_7(%arg0: i32) -> (i32, i32) {
    %c0_i32 = arith.constant 0 : i32
    %c0_i32_0 = arith.constant 0 : i32
    %c0_i32_1 = arith.constant 0 : i32
    return %c0_i32, %c0_i32_0 : i32, i32
  }
  func.func @transform_8(%arg0: i32) -> (i32, i32) {
    %c0_i32 = arith.constant 0 : i32
    %c0_i32_0 = arith.constant 0 : i32
    %c0_i32_1 = arith.constant 0 : i32
    return %c0_i32, %c0_i32_0 : i32, i32
  }
  func.func @transform_9(%arg0: i32) -> (i32, i32) {
    %c0_i32 = arith.constant 0 : i32
    %c0_i32_0 = arith.constant 0 : i32
    return %arg0, %c0_i32 : i32, i32
  }
  func.func @transform_10(%arg0: i32) -> (i32, i32) {
    %c0_i32 = arith.constant 0 : i32
    %c0_i32_0 = arith.constant 0 : i32
    %c0_i32_1 = arith.constant 0 : i32
    return %c0_i32, %c0_i32_0 : i32, i32
  }
}

module attributes {stable_mosaic.version = 14 : i64} {
  func.func @_tc_body(%arg0: i32, %arg1: memref<2000x128xf32, #tpu.memory_space<vmem>>, %arg2: memref<1x2000x128xf32, #tpu.memory_space<vmem>>, %arg3: memref<1x2000x128xf32, #tpu.memory_space<vmem>>, %arg4: memref<128x128xf32, #tpu.memory_space<vmem>>, %arg5: memref<128x128xf32, #tpu.memory_space<vmem>>, %arg6: memref<128x128xf32, #tpu.memory_space<vmem>>, %arg7: memref<11x128xf32, #tpu.memory_space<vmem>>, %arg8: memref<128x1xf32, #tpu.memory_space<vmem>>, %arg9: memref<128x1xf32, #tpu.memory_space<vmem>>, %arg10: memref<2000x128xf32, #tpu.memory_space<vmem>>, %arg11: memref<1x1xf32, #tpu.memory_space<vmem>>) attributes {dimension_semantics = [#tpu.dimension_semantics<arbitrary>], iteration_bounds = array<i64: 5>, scalar_prefetch = 0 : i64, scratch_operands = 0 : i64, tpu.core_type = #tpu.core_type<tc>, window_params = [{transform_indices = @transform_0, window_bounds = array<i64: 2000, 128>}, {transform_indices = @transform_1, window_bounds = array<i64: 1, 2000, 128>}, {transform_indices = @transform_2, window_bounds = array<i64: 1, 2000, 128>}, {pipeline_mode = #tpu.pipeline_mode<synchronous>, transform_indices = @transform_3, window_bounds = array<i64: 128, 128>}, {pipeline_mode = #tpu.pipeline_mode<synchronous>, transform_indices = @transform_4, window_bounds = array<i64: 128, 128>}, {pipeline_mode = #tpu.pipeline_mode<synchronous>, transform_indices = @transform_5, window_bounds = array<i64: 128, 128>}, {pipeline_mode = #tpu.pipeline_mode<synchronous>, transform_indices = @transform_6, window_bounds = array<i64: 11, 128>}, {pipeline_mode = #tpu.pipeline_mode<synchronous>, transform_indices = @transform_7, window_bounds = array<i64: 128, 1>}, {pipeline_mode = #tpu.pipeline_mode<synchronous>, transform_indices = @transform_8, window_bounds = array<i64: 128, 1>}, {transform_indices = @transform_9, window_bounds = array<i64: 2000, 128>}, {pipeline_mode = #tpu.pipeline_mode<synchronous>, transform_indices = @transform_10, window_bounds = array<i64: 1, 1>}]} {
    %get3A = arith.constant 0 : index
    %get3A_0 = arith.constant 0 : index
    %get3A_1 = vector.load %arg7[%get3A, %get3A_0] : memref<11x128xf32, #tpu.memory_space<vmem>>, vector<11x128xf32>
    %get3A_2 = arith.constant 0 : index
    %get3A_3 = arith.constant 0 : index
    %get3A_4 = vector.load %arg1[%get3A_2, %get3A_3] : memref<2000x128xf32, #tpu.memory_space<vmem>>, vector<2000x128xf32>
    %slice3A = vector.extract_strided_slice %get3A_1 {offsets = [0, 0], sizes = [1, 128], strides = [1, 1]} : vector<11x128xf32> to vector<1x128xf32>
    %add3A = arith.constant 1.000000e+00 : f32
    %add3A_5 = vector.broadcast %add3A : f32 to vector<1x128xf32>
    %add3A_6 = arith.addf %add3A_5, %slice3A : vector<1x128xf32>
    %mul3A = vector.broadcast %add3A_6 : vector<1x128xf32> to vector<2000x128xf32>
    %mul3A_7 = arith.mulf %get3A_4, %mul3A : vector<2000x128xf32>
    %get3A_8 = arith.constant 0 : index
    %get3A_9 = arith.constant 0 : index
    %get3A_10 = arith.constant 0 : index
    %get3A_11 = vector.load %arg2[%get3A_8, %get3A_9, %get3A_10] : memref<1x2000x128xf32, #tpu.memory_space<vmem>>, vector<1x2000x128xf32>
    %get3A_12 = vector.shape_cast %get3A_11 : vector<1x2000x128xf32> to vector<2000x128xf32>
    %add3A_13 = arith.addf %mul3A_7, %get3A_12 : vector<2000x128xf32>
    %get3A_14 = arith.constant 0 : index
    %get3A_15 = arith.constant 0 : index
    %get3A_16 = arith.constant 0 : index
    %get3A_17 = vector.load %arg3[%get3A_14, %get3A_15, %get3A_16] : memref<1x2000x128xf32, #tpu.memory_space<vmem>>, vector<1x2000x128xf32>
    %get3A_18 = vector.shape_cast %get3A_17 : vector<1x2000x128xf32> to vector<2000x128xf32>
    %add3A_19 = arith.addf %add3A_13, %get3A_18 : vector<2000x128xf32>
    %get3A_20 = arith.constant 0 : index
    %get3A_21 = arith.constant 0 : index
    %get3A_22 = vector.load %arg4[%get3A_20, %get3A_21] : memref<128x128xf32, #tpu.memory_space<vmem>>, vector<128x128xf32>
    %get3A_23 = arith.constant 0 : index
    %get3A_24 = arith.constant 0 : index
    %get3A_25 = vector.load %arg5[%get3A_23, %get3A_24] : memref<128x128xf32, #tpu.memory_space<vmem>>, vector<128x128xf32>
    %dot_general3A = arith.constant dense<0.000000e+00> : vector<128x128xf32>
    %dot_general3A_26 = tpu.matmul %get3A_22, %get3A_25, %dot_general3A {dimension_numbers = #tpu.dot_dimension_numbers<[1], [0], [0], [1], [0, 0, 1, 1], [], []>, precision = #tpu.contract_precision<fp32>, transpose_lhs_hint = false} : vector<128x128xf32>, vector<128x128xf32>, vector<128x128xf32> -> vector<128x128xf32>
    %dot_general3A_27 = arith.constant dense<0.000000e+00> : vector<2000x128xf32>
    %dot_general3A_28 = tpu.matmul %add3A_19, %dot_general3A_26, %dot_general3A_27 {dimension_numbers = #tpu.dot_dimension_numbers<[1], [0], [0], [1], [0, 0, 1, 1], [], []>, precision = #tpu.contract_precision<fp32>, transpose_lhs_hint = false} : vector<2000x128xf32>, vector<128x128xf32>, vector<2000x128xf32> -> vector<2000x128xf32>
    %slice3A_29 = vector.extract_strided_slice %get3A_1 {offsets = [1, 0], sizes = [1, 128], strides = [1, 1]} : vector<11x128xf32> to vector<1x128xf32>
    %add3A_30 = vector.broadcast %slice3A_29 : vector<1x128xf32> to vector<2000x128xf32>
    %add3A_31 = arith.addf %dot_general3A_28, %add3A_30 : vector<2000x128xf32>
    %add3A_32 = arith.addf %add3A_19, %add3A_31 : vector<2000x128xf32>
    %slice3A_33 = vector.extract_strided_slice %get3A_1 {offsets = [3, 0], sizes = [1, 128], strides = [1, 1]} : vector<11x128xf32> to vector<1x128xf32>
    %slice3A_34 = vector.extract_strided_slice %get3A_1 {offsets = [4, 0], sizes = [1, 128], strides = [1, 1]} : vector<11x128xf32> to vector<1x128xf32>
    %reduce_sum3A = arith.constant dense<0.000000e+00> : vector<2000xf32>
    %reduce_sum3A_35 = vector.multi_reduction <add>, %add3A_32, %reduce_sum3A [1] : vector<2000x128xf32> to vector<2000xf32>
    %broadcast_in_dim3A = vector.shape_cast %reduce_sum3A_35 : vector<2000xf32> to vector<2000x1xf32>
    %div3A = arith.constant 1.280000e+02 : f32
    %div3A_36 = vector.broadcast %div3A : f32 to vector<2000x1xf32>
    %div3A_37 = arith.divf %broadcast_in_dim3A, %div3A_36 : vector<2000x1xf32>
    %sub3A = vector.broadcast %div3A_37 : vector<2000x1xf32> to vector<2000x128xf32>
    %sub3A_38 = arith.subf %add3A_32, %sub3A : vector<2000x128xf32>
    %integer_pow3A = arith.mulf %sub3A_38, %sub3A_38 : vector<2000x128xf32>
    %reduce_sum3A_39 = arith.constant dense<0.000000e+00> : vector<2000xf32>
    %reduce_sum3A_40 = vector.multi_reduction <add>, %integer_pow3A, %reduce_sum3A_39 [1] : vector<2000x128xf32> to vector<2000xf32>
    %broadcast_in_dim3A_41 = vector.shape_cast %reduce_sum3A_40 : vector<2000xf32> to vector<2000x1xf32>
    %div3A_42 = arith.constant 1.280000e+02 : f32
    %div3A_43 = vector.broadcast %div3A_42 : f32 to vector<2000x1xf32>
    %div3A_44 = arith.divf %broadcast_in_dim3A_41, %div3A_43 : vector<2000x1xf32>
    %sub3A_45 = vector.broadcast %div3A_37 : vector<2000x1xf32> to vector<2000x128xf32>
    %sub3A_46 = arith.subf %add3A_32, %sub3A_45 : vector<2000x128xf32>
    %add3A_47 = arith.constant 9.99999974E-6 : f32
    %add3A_48 = vector.broadcast %add3A_47 : f32 to vector<2000x1xf32>
    %add3A_49 = arith.addf %div3A_44, %add3A_48 : vector<2000x1xf32>
    %rsqrt3A = math.rsqrt %add3A_49 : vector<2000x1xf32>
    %mul3A_50 = vector.broadcast %rsqrt3A : vector<2000x1xf32> to vector<2000x128xf32>
    %mul3A_51 = arith.mulf %sub3A_46, %mul3A_50 : vector<2000x128xf32>
    %mul3A_52 = vector.broadcast %slice3A_33 : vector<1x128xf32> to vector<2000x128xf32>
    %mul3A_53 = arith.mulf %mul3A_51, %mul3A_52 : vector<2000x128xf32>
    %add3A_54 = vector.broadcast %slice3A_34 : vector<1x128xf32> to vector<2000x128xf32>
    %add3A_55 = arith.addf %mul3A_53, %add3A_54 : vector<2000x128xf32>
    %get3A_56 = arith.constant 0 : index
    %get3A_57 = arith.constant 0 : index
    %get3A_58 = vector.load %arg6[%get3A_56, %get3A_57] : memref<128x128xf32, #tpu.memory_space<vmem>>, vector<128x128xf32>
    %dot_general3A_59 = arith.constant dense<0.000000e+00> : vector<2000x128xf32>
    %dot_general3A_60 = tpu.matmul %add3A_55, %get3A_58, %dot_general3A_59 {dimension_numbers = #tpu.dot_dimension_numbers<[1], [0], [0], [1], [0, 0, 1, 1], [], []>, precision = #tpu.contract_precision<fp32>, transpose_lhs_hint = false} : vector<2000x128xf32>, vector<128x128xf32>, vector<2000x128xf32> -> vector<2000x128xf32>
    %slice3A_61 = vector.extract_strided_slice %get3A_1 {offsets = [2, 0], sizes = [1, 128], strides = [1, 1]} : vector<11x128xf32> to vector<1x128xf32>
    %add3A_62 = vector.broadcast %slice3A_61 : vector<1x128xf32> to vector<2000x128xf32>
    %add3A_63 = arith.addf %dot_general3A_60, %add3A_62 : vector<2000x128xf32>
    %max3A = arith.constant 0.000000e+00 : f32
    %max3A_64 = vector.broadcast %max3A : f32 to vector<2000x128xf32>
    %max3A_65 = arith.maximumf %add3A_63, %max3A_64 : vector<2000x128xf32>
    %add3A_66 = arith.addf %add3A_55, %max3A_65 : vector<2000x128xf32>
    %slice3A_67 = vector.extract_strided_slice %get3A_1 {offsets = [5, 0], sizes = [1, 128], strides = [1, 1]} : vector<11x128xf32> to vector<1x128xf32>
    %slice3A_68 = vector.extract_strided_slice %get3A_1 {offsets = [6, 0], sizes = [1, 128], strides = [1, 1]} : vector<11x128xf32> to vector<1x128xf32>
    %reduce_sum3A_69 = arith.constant dense<0.000000e+00> : vector<2000xf32>
    %reduce_sum3A_70 = vector.multi_reduction <add>, %add3A_66, %reduce_sum3A_69 [1] : vector<2000x128xf32> to vector<2000xf32>
    %broadcast_in_dim3A_71 = vector.shape_cast %reduce_sum3A_70 : vector<2000xf32> to vector<2000x1xf32>
    %div3A_72 = arith.constant 1.280000e+02 : f32
    %div3A_73 = vector.broadcast %div3A_72 : f32 to vector<2000x1xf32>
    %div3A_74 = arith.divf %broadcast_in_dim3A_71, %div3A_73 : vector<2000x1xf32>
    %sub3A_75 = vector.broadcast %div3A_74 : vector<2000x1xf32> to vector<2000x128xf32>
    %sub3A_76 = arith.subf %add3A_66, %sub3A_75 : vector<2000x128xf32>
    %integer_pow3A_77 = arith.mulf %sub3A_76, %sub3A_76 : vector<2000x128xf32>
    %reduce_sum3A_78 = arith.constant dense<0.000000e+00> : vector<2000xf32>
    %reduce_sum3A_79 = vector.multi_reduction <add>, %integer_pow3A_77, %reduce_sum3A_78 [1] : vector<2000x128xf32> to vector<2000xf32>
    %broadcast_in_dim3A_80 = vector.shape_cast %reduce_sum3A_79 : vector<2000xf32> to vector<2000x1xf32>
    %div3A_81 = arith.constant 1.280000e+02 : f32
    %div3A_82 = vector.broadcast %div3A_81 : f32 to vector<2000x1xf32>
    %div3A_83 = arith.divf %broadcast_in_dim3A_80, %div3A_82 : vector<2000x1xf32>
    %sub3A_84 = vector.broadcast %div3A_74 : vector<2000x1xf32> to vector<2000x128xf32>
    %sub3A_85 = arith.subf %add3A_66, %sub3A_84 : vector<2000x128xf32>
    %add3A_86 = arith.constant 9.99999974E-6 : f32
    %add3A_87 = vector.broadcast %add3A_86 : f32 to vector<2000x1xf32>
    %add3A_88 = arith.addf %div3A_83, %add3A_87 : vector<2000x1xf32>
    %rsqrt3A_89 = math.rsqrt %add3A_88 : vector<2000x1xf32>
    %mul3A_90 = vector.broadcast %rsqrt3A_89 : vector<2000x1xf32> to vector<2000x128xf32>
    %mul3A_91 = arith.mulf %sub3A_85, %mul3A_90 : vector<2000x128xf32>
    %mul3A_92 = vector.broadcast %slice3A_67 : vector<1x128xf32> to vector<2000x128xf32>
    %mul3A_93 = arith.mulf %mul3A_91, %mul3A_92 : vector<2000x128xf32>
    %add3A_94 = vector.broadcast %slice3A_68 : vector<1x128xf32> to vector<2000x128xf32>
    %add3A_95 = arith.addf %mul3A_93, %add3A_94 : vector<2000x128xf32>
    %slice3A_96 = vector.extract_strided_slice %get3A_1 {offsets = [7, 0], sizes = [1, 128], strides = [1, 1]} : vector<11x128xf32> to vector<1x128xf32>
    %slice3A_97 = vector.extract_strided_slice %get3A_1 {offsets = [8, 0], sizes = [1, 128], strides = [1, 1]} : vector<11x128xf32> to vector<1x128xf32>
    %reduce_sum3A_98 = arith.constant dense<0.000000e+00> : vector<2000xf32>
    %reduce_sum3A_99 = vector.multi_reduction <add>, %add3A_95, %reduce_sum3A_98 [1] : vector<2000x128xf32> to vector<2000xf32>
    %broadcast_in_dim3A_100 = vector.shape_cast %reduce_sum3A_99 : vector<2000xf32> to vector<2000x1xf32>
    %div3A_101 = arith.constant 1.280000e+02 : f32
    %div3A_102 = vector.broadcast %div3A_101 : f32 to vector<2000x1xf32>
    %div3A_103 = arith.divf %broadcast_in_dim3A_100, %div3A_102 : vector<2000x1xf32>
    %sub3A_104 = vector.broadcast %div3A_103 : vector<2000x1xf32> to vector<2000x128xf32>
    %sub3A_105 = arith.subf %add3A_95, %sub3A_104 : vector<2000x128xf32>
    %integer_pow3A_106 = arith.mulf %sub3A_105, %sub3A_105 : vector<2000x128xf32>
    %reduce_sum3A_107 = arith.constant dense<0.000000e+00> : vector<2000xf32>
    %reduce_sum3A_108 = vector.multi_reduction <add>, %integer_pow3A_106, %reduce_sum3A_107 [1] : vector<2000x128xf32> to vector<2000xf32>
    %broadcast_in_dim3A_109 = vector.shape_cast %reduce_sum3A_108 : vector<2000xf32> to vector<2000x1xf32>
    %div3A_110 = arith.constant 1.280000e+02 : f32
    %div3A_111 = vector.broadcast %div3A_110 : f32 to vector<2000x1xf32>
    %div3A_112 = arith.divf %broadcast_in_dim3A_109, %div3A_111 : vector<2000x1xf32>
    %sub3A_113 = vector.broadcast %div3A_103 : vector<2000x1xf32> to vector<2000x128xf32>
    %sub3A_114 = arith.subf %add3A_95, %sub3A_113 : vector<2000x128xf32>
    %add3A_115 = arith.constant 9.99999974E-6 : f32
    %add3A_116 = vector.broadcast %add3A_115 : f32 to vector<2000x1xf32>
    %add3A_117 = arith.addf %div3A_112, %add3A_116 : vector<2000x1xf32>
    %rsqrt3A_118 = math.rsqrt %add3A_117 : vector<2000x1xf32>
    %mul3A_119 = vector.broadcast %rsqrt3A_118 : vector<2000x1xf32> to vector<2000x128xf32>
    %mul3A_120 = arith.mulf %sub3A_114, %mul3A_119 : vector<2000x128xf32>
    %mul3A_121 = vector.broadcast %slice3A_96 : vector<1x128xf32> to vector<2000x128xf32>
    %mul3A_122 = arith.mulf %mul3A_120, %mul3A_121 : vector<2000x128xf32>
    %add3A_123 = vector.broadcast %slice3A_97 : vector<1x128xf32> to vector<2000x128xf32>
    %add3A_124 = arith.addf %mul3A_122, %add3A_123 : vector<2000x128xf32>
    %max3A_125 = arith.constant 0.000000e+00 : f32
    %max3A_126 = vector.broadcast %max3A_125 : f32 to vector<2000x128xf32>
    %max3A_127 = arith.maximumf %add3A_124, %max3A_126 : vector<2000x128xf32>
    %slice3A_128 = vector.extract_strided_slice %get3A_1 {offsets = [9, 0], sizes = [1, 128], strides = [1, 1]} : vector<11x128xf32> to vector<1x128xf32>
    %slice3A_129 = vector.extract_strided_slice %get3A_1 {offsets = [10, 0], sizes = [1, 128], strides = [1, 1]} : vector<11x128xf32> to vector<1x128xf32>
    %reduce_sum3A_130 = arith.constant dense<0.000000e+00> : vector<2000xf32>
    %reduce_sum3A_131 = vector.multi_reduction <add>, %max3A_127, %reduce_sum3A_130 [1] : vector<2000x128xf32> to vector<2000xf32>
    %broadcast_in_dim3A_132 = vector.shape_cast %reduce_sum3A_131 : vector<2000xf32> to vector<2000x1xf32>
    %div3A_133 = arith.constant 1.280000e+02 : f32
    %div3A_134 = vector.broadcast %div3A_133 : f32 to vector<2000x1xf32>
    %div3A_135 = arith.divf %broadcast_in_dim3A_132, %div3A_134 : vector<2000x1xf32>
    %sub3A_136 = vector.broadcast %div3A_135 : vector<2000x1xf32> to vector<2000x128xf32>
    %sub3A_137 = arith.subf %max3A_127, %sub3A_136 : vector<2000x128xf32>
    %integer_pow3A_138 = arith.mulf %sub3A_137, %sub3A_137 : vector<2000x128xf32>
    %reduce_sum3A_139 = arith.constant dense<0.000000e+00> : vector<2000xf32>
    %reduce_sum3A_140 = vector.multi_reduction <add>, %integer_pow3A_138, %reduce_sum3A_139 [1] : vector<2000x128xf32> to vector<2000xf32>
    %broadcast_in_dim3A_141 = vector.shape_cast %reduce_sum3A_140 : vector<2000xf32> to vector<2000x1xf32>
    %div3A_142 = arith.constant 1.280000e+02 : f32
    %div3A_143 = vector.broadcast %div3A_142 : f32 to vector<2000x1xf32>
    %div3A_144 = arith.divf %broadcast_in_dim3A_141, %div3A_143 : vector<2000x1xf32>
    %sub3A_145 = vector.broadcast %div3A_135 : vector<2000x1xf32> to vector<2000x128xf32>
    %sub3A_146 = arith.subf %max3A_127, %sub3A_145 : vector<2000x128xf32>
    %add3A_147 = arith.constant 9.99999974E-6 : f32
    %add3A_148 = vector.broadcast %add3A_147 : f32 to vector<2000x1xf32>
    %add3A_149 = arith.addf %div3A_144, %add3A_148 : vector<2000x1xf32>
    %rsqrt3A_150 = math.rsqrt %add3A_149 : vector<2000x1xf32>
    %mul3A_151 = vector.broadcast %rsqrt3A_150 : vector<2000x1xf32> to vector<2000x128xf32>
    %mul3A_152 = arith.mulf %sub3A_146, %mul3A_151 : vector<2000x128xf32>
    %mul3A_153 = vector.broadcast %slice3A_128 : vector<1x128xf32> to vector<2000x128xf32>
    %mul3A_154 = arith.mulf %mul3A_152, %mul3A_153 : vector<2000x128xf32>
    %add3A_155 = vector.broadcast %slice3A_129 : vector<1x128xf32> to vector<2000x128xf32>
    %add3A_156 = arith.addf %mul3A_154, %add3A_155 : vector<2000x128xf32>
    %max3A_157 = arith.constant 0.000000e+00 : f32
    %max3A_158 = vector.broadcast %max3A_157 : f32 to vector<2000x128xf32>
    %max3A_159 = arith.maximumf %add3A_156, %max3A_158 : vector<2000x128xf32>
    %swap3A = arith.constant 0 : index
    %swap3A_160 = arith.constant 0 : index
    %swap3A_161 = vector.load %arg10[%swap3A, %swap3A_160] : memref<2000x128xf32, #tpu.memory_space<vmem>>, vector<2000x128xf32>
    tpu.vector_store %arg10[%swap3A, %swap3A_160], %max3A_159 {strides = array<i32>} : memref<2000x128xf32, #tpu.memory_space<vmem>>, vector<2000x128xf32>,
    %get3A_162 = arith.constant 0 : index
    %get3A_163 = arith.constant 0 : index
    %get3A_164 = vector.load %arg8[%get3A_162, %get3A_163] : memref<128x1xf32, #tpu.memory_space<vmem>>, vector<128x1xf32>
    %dot_general3A_165 = arith.constant dense<0.000000e+00> : vector<2000x1xf32>
    %dot_general3A_166 = tpu.matmul %get3A_4, %get3A_164, %dot_general3A_165 {dimension_numbers = #tpu.dot_dimension_numbers<[1], [0], [0], [1], [0, 0, 1, 1], [], []>, precision = #tpu.contract_precision<fp32>, transpose_lhs_hint = false} : vector<2000x128xf32>, vector<128x1xf32>, vector<2000x1xf32> -> vector<2000x1xf32>
    %reduce_sum3A_167 = vector.shape_cast %dot_general3A_166 : vector<2000x1xf32> to vector<1x2000x1xf32>
    %reduce_sum3A_168 = arith.constant dense<0.000000e+00> : vector<1xf32>
    %reduce_sum3A_169 = vector.multi_reduction <add>, %reduce_sum3A_167, %reduce_sum3A_168 [1, 2] : vector<1x2000x1xf32> to vector<1xf32>
    %reduce_sum3A_170 = vector.shape_cast %reduce_sum3A_169 : vector<1xf32> to vector<1x1x1xf32>
    %reduce_sum3A_171 = vector.extract %reduce_sum3A_170[0, 0, 0] : f32 from vector<1x1x1xf32>
    %get3A_172 = arith.constant 0 : index
    %get3A_173 = arith.constant 0 : index
    %get3A_174 = vector.load %arg9[%get3A_172, %get3A_173] : memref<128x1xf32, #tpu.memory_space<vmem>>, vector<128x1xf32>
    %dot_general3A_175 = arith.constant dense<0.000000e+00> : vector<2000x1xf32>
    %dot_general3A_176 = tpu.matmul %max3A_159, %get3A_174, %dot_general3A_175 {dimension_numbers = #tpu.dot_dimension_numbers<[1], [0], [0], [1], [0, 0, 1, 1], [], []>, precision = #tpu.contract_precision<fp32>, transpose_lhs_hint = false} : vector<2000x128xf32>, vector<128x1xf32>, vector<2000x1xf32> -> vector<2000x1xf32>
    %reduce_sum3A_177 = vector.shape_cast %dot_general3A_176 : vector<2000x1xf32> to vector<1x2000x1xf32>
    %reduce_sum3A_178 = arith.constant dense<0.000000e+00> : vector<1xf32>
    %reduce_sum3A_179 = vector.multi_reduction <add>, %reduce_sum3A_177, %reduce_sum3A_178 [1, 2] : vector<1x2000x1xf32> to vector<1xf32>
    %reduce_sum3A_180 = vector.shape_cast %reduce_sum3A_179 : vector<1xf32> to vector<1x1x1xf32>
    %reduce_sum3A_181 = vector.extract %reduce_sum3A_180[0, 0, 0] : f32 from vector<1x1x1xf32>
    %add3A_182 = arith.addf %reduce_sum3A_171, %reduce_sum3A_181 : f32
    %eq3A = arith.constant 0 : i32
    %eq3A_183 = arith.cmpi eq, %arg0, %eq3A : i32
    %convert_element_type3A = arith.extui %eq3A_183 : i1 to i32
    %cond3A = arith.constant 0 : i32
    %cond3A_184 = arith.cmpi ne, %convert_element_type3A, %cond3A : i32
    scf.if %cond3A_184 {
      %broadcast_in_dim3A_192 = arith.constant 0.000000e+00 : f32
      %broadcast_in_dim3A_193 = vector.broadcast %broadcast_in_dim3A_192 : f32 to vector<1x1xf32>
      %swap3A_194 = arith.constant 0 : index
      %swap3A_195 = arith.constant 0 : index
      %swap3A_196 = vector.load %arg11[%swap3A_194, %swap3A_195] : memref<1x1xf32, #tpu.memory_space<vmem>>, vector<1x1xf32>
      tpu.vector_store %arg11[%swap3A_194, %swap3A_195], %broadcast_in_dim3A_193 {strides = array<i32>} : memref<1x1xf32, #tpu.memory_space<vmem>>, vector<1x1xf32>,
    } else {
    }
    %get3A_185 = arith.constant 0 : index
    %get3A_186 = arith.constant 0 : index
    %get3A_187 = vector.load %arg11[%get3A_185, %get3A_186] : memref<1x1xf32, #tpu.memory_space<vmem>>, vector<1x1xf32>
    %reshape3A = vector.broadcast %add3A_182 : f32 to vector<1x1xf32>
    %add3A_188 = arith.addf %get3A_187, %reshape3A : vector<1x1xf32>
    %swap3A_189 = arith.constant 0 : index
    %swap3A_190 = arith.constant 0 : index
    %swap3A_191 = vector.load %arg11[%swap3A_189, %swap3A_190] : memref<1x1xf32, #tpu.memory_space<vmem>>, vector<1x1xf32>
    tpu.vector_store %arg11[%swap3A_189, %swap3A_190], %add3A_188 {strides = array<i32>} : memref<1x1xf32, #tpu.memory_space<vmem>>, vector<1x1xf32>,
    return
  }
  func.func @transform_0(%arg0: i32) -> (i32, i32) {
    %c0_i32 = arith.constant 0 : i32
    %c0_i32_0 = arith.constant 0 : i32
    return %arg0, %c0_i32 : i32, i32
  }
  func.func @transform_1(%arg0: i32) -> (i32, i32, i32) {
    %c0_i32 = arith.constant 0 : i32
    %c0_i32_0 = arith.constant 0 : i32
    %c0_i32_1 = arith.constant 0 : i32
    return %c0_i32, %arg0, %c0_i32_0 : i32, i32, i32
  }
  func.func @transform_2(%arg0: i32) -> (i32, i32, i32) {
    %c1_i32 = arith.constant 1 : i32
    %c0_i32 = arith.constant 0 : i32
    %c0_i32_0 = arith.constant 0 : i32
    return %c1_i32, %arg0, %c0_i32 : i32, i32, i32
  }
  func.func @transform_3(%arg0: i32) -> (i32, i32) {
    %c0_i32 = arith.constant 0 : i32
    %c0_i32_0 = arith.constant 0 : i32
    %c0_i32_1 = arith.constant 0 : i32
    return %c0_i32, %c0_i32_0 : i32, i32
  }
  func.func @transform_4(%arg0: i32) -> (i32, i32) {
    %c0_i32 = arith.constant 0 : i32
    %c0_i32_0 = arith.constant 0 : i32
    %c0_i32_1 = arith.constant 0 : i32
    return %c0_i32, %c0_i32_0 : i32, i32
  }
  func.func @transform_5(%arg0: i32) -> (i32, i32) {
    %c0_i32 = arith.constant 0 : i32
    %c0_i32_0 = arith.constant 0 : i32
    %c0_i32_1 = arith.constant 0 : i32
    return %c0_i32, %c0_i32_0 : i32, i32
  }
  func.func @transform_6(%arg0: i32) -> (i32, i32) {
    %c0_i32 = arith.constant 0 : i32
    %c0_i32_0 = arith.constant 0 : i32
    %c0_i32_1 = arith.constant 0 : i32
    return %c0_i32, %c0_i32_0 : i32, i32
  }
  func.func @transform_7(%arg0: i32) -> (i32, i32) {
    %c0_i32 = arith.constant 0 : i32
    %c0_i32_0 = arith.constant 0 : i32
    %c0_i32_1 = arith.constant 0 : i32
    return %c0_i32, %c0_i32_0 : i32, i32
  }
  func.func @transform_8(%arg0: i32) -> (i32, i32) {
    %c0_i32 = arith.constant 0 : i32
    %c0_i32_0 = arith.constant 0 : i32
    %c0_i32_1 = arith.constant 0 : i32
    return %c0_i32, %c0_i32_0 : i32, i32
  }
  func.func @transform_9(%arg0: i32) -> (i32, i32) {
    %c0_i32 = arith.constant 0 : i32
    %c0_i32_0 = arith.constant 0 : i32
    return %arg0, %c0_i32 : i32, i32
  }
  func.func @transform_10(%arg0: i32) -> (i32, i32) {
    %c0_i32 = arith.constant 0 : i32
    %c0_i32_0 = arith.constant 0 : i32
    %c0_i32_1 = arith.constant 0 : i32
    return %c0_i32, %c0_i32_0 : i32, i32
  }
}

</mosaic_0001>

<sc_bundles>
// kernel: kernel.6.cloned.1.call-start
scs
__scs_entry_jumppad:
0x0: {  	(pc) =	sbr.rel $0x88, $3  }
0x1: {  	(tag) =	ssettag $0x0;
	lr =	simm.s32 $0x1  }
0x2: {  	[smem:$0x3F7D] =	sst lr;
	_ =	strace $0xD0000000  }
0x3: {  	_ = 	snop  }
0x4: {  	_ = 	snop  }
0x5: {  	_ = 	snop  }
0x6: {  	_ = 	snop  }
0x7: {  	_ = 	snop  }
__scs_overlays_trampoline_lowered:
0x8: {  	[smem:$0x3F8C] =	sst s0  }
0x9: {  	[smem:$0x3F8D] =	sst s1  }
0xa: {  	[smem:$0x3F8E] =	sst s2  }
0xb: {  	[smem:$0x3F8F] =	sst s3  }
0xc: {  	[smem:$0x3F90] =	sst s4  }
0xd: {  	[smem:$0x3F91] =	sst s5  }
0xe: {  	[smem:$0x3F92] =	sst s6  }
0xf: {  	[smem:$0x3F93] =	sst s7  }
0x10: {  	[smem:$0x3F94] =	sst s8  }
0x11: {  	[smem:$0x3F95] =	sst s9;
	s0 =	simm.s32 @!p0 $0x0  }
0x12: {  	s1 =	sld [smem:$0x3F7B];
	s0 =	simm.s32 @p0 $0x1  }
0x13: {  	[smem:$0x3F96] =	sst s0;
	s0 =	simm.s32 @!p1 $0x0  }
0x14: {  	s2 =	sld [smem:$0x3F7A];
	s0 =	simm.s32 @p1 $0x1  }
0x15: {  	[smem:$0x3F97] =	sst s0;
	s0 =	simm.s32 @!p2 $0x0  }
0x16: {  	s3 =	sld [smem:$0x3FDB];
	s0 =	simm.s32 @p2 $0x1  }
0x17: {  	s4 =	simm.s32 $0x1BF5;
	[smem:$0x3F99] =	sst s0  }
0x18: {  	s0 =	sld [smem:$0x3F7C];
	_ =	swait.ge [sflag:s4], $0x0  }
0x19: {  	s7 =	sld [smem:$0x3F7D]  }
0x1a: {  	s8 =	sadd.s32 $0xFFFFE003, lr  }
0x1b: {  	s9 =	sadd.s32 $0xFFFFFEF7, lr;
	s5 =	simm.s32 $0xFFFFFFFF;
	p2 =	slt.u32 s8, $0xFFFFF086  }
0x1c: {  	p1 =	slt.u32 s9, $0xF7A;
	s5 =	simm.s32 @!p2 $0x0  }
0x1d: {  	s5 =	simm.s32 @p1 $0x1;
	p0 =	seq.s32 s7, s2  }
0x1e: {  	s7 =	smul.u32 @!p0 $0xF7A, s2;
	p2 =	seq.s32 @!p0 s5, $0x0  }
0x1f: {  	s9 =	smul.u32 $0xF7A, s1;
	s8 =	simm.s32 @!p0 $0x1BF5;
	p2 =	por !p2, p0  }
0x20: {  	[sflag:s8] =	ssyncset.s32 @!p0 $0xFFFFF086;
	s6 =	sadd.s32 @!p0 s3, s7;
	s7 =	simm.s32 @!p0 $0x108  }
0x21: {  	s3 =	sadd.s32 s3, s9;
	s6 =	sadd.s32 @!p0 $0x88, s6;
	s7 =	simm.s32 @p2 $0x1082  }
0x22: {  	[simem:s7], [sflag:s8] =	dma.local @!p0 [hbm:s6], $0xF7A  }
0x23: {  	s9 =	sor.u32 $0xD0000000, s2;
	s6 =	simm.s32 $0x108;
	_ =	swait.ge @!p0 [sflag:s8], $0x0  }
0x24: {  	s3 =	sadd.s32 $0x88, s3;
	s6 =	simm.s32 @!p1 $0x1082;
	[sflag:s4] =	ssyncset.s32 $0xFFFFF086  }
0x25: {  	[simem:s6], [sflag:s4] =	dma.local [hbm:s3], $0xF7A  }
0x26: {  	[smem:$0x3F7D] =	sst s1;
	(tag) =	ssettag s2;
	_ =	strace s9  }
0x27: {  	s1 =	sld [smem:$0x3F8D]  }
0x28: {  	s2 =	sld [smem:$0x3F8E]  }
0x29: {  	s4 =	sld [smem:$0x3F90]  }
0x2a: {  	p0 =	seq.s32 s5, $0x0;
	s5 =	sld [smem:$0x3F91]  }
0x2b: {  	s6 =	sld [smem:$0x3F92]  }
0x2c: {  	s7 =	sld [smem:$0x3F93]  }
0x2d: {  	s3 =	simm.s32 $0x108;
	s8 =	sld [smem:$0x3F94]  }
0x2e: {  	s3 =	simm.s32 @!p0 $0x1082;
	s9 =	sld [smem:$0x3F95]  }
0x2f: {  	lr =	sadd.s32 s0, s3;
	s0 =	sld [smem:$0x3F8C]  }
0x30: {  	s3 =	sld [smem:$0x3F8F]  }
0x31: {  	[smem:$0x3F98] =	sst s10  }
0x32: {  	s10 =	sld [smem:$0x3F96];
	_ =	sdelay $0x3  }
0x33: {  	p0 =	seq.s32 s10, $0x1;
	s10 =	sld [smem:$0x3F98];
	_ =	sdelay $0x3  }
0x34: {  	[smem:$0x3F98] =	sst s10  }
0x35: {  	s10 =	sld [smem:$0x3F97];
	_ =	sdelay $0x3  }
0x36: {  	p1 =	seq.s32 s10, $0x1;
	s10 =	sld [smem:$0x3F98];
	_ =	sdelay $0x3  }
0x37: {  	[smem:$0x3F98] =	sst s10  }
0x38: {  	s10 =	sld [smem:$0x3F99]  }
0x39: {  	_ = 	snop;
	(pc) =	sbr.ind lr, $3  }
0x3a: {  	_ = 	snop  }
0x3b: {  	_ = 	snop  }
0x3c: {  	p2 =	seq.s32 s10, $0x1;
	s10 =	sld [smem:$0x3F98]  }
0x3d: {  	_ =	shalt  }
0x3e: {  	_ =	shalt  }
0x3f: {  	_ =	shalt  }
0x40: {  	_ =	shalt  }
0x41: {  	_ =	shalt  }
0x42: {  	_ =	shalt  }
0x43: {  	_ =	shalt  }
0x44: {  	_ =	shalt  }
0x45: {  	_ =	shalt  }
0x46: {  	_ =	shalt  }
0x47: {  	_ =	shalt  }
0x48: {  	_ =	shalt  }
0x49: {  	_ =	shalt  }
0x4a: {  	_ =	shalt  }
0x4b: {  	_ =	shalt  }
0x4c: {  	_ =	shalt  }
0x4d: {  	_ =	shalt  }
0x4e: {  	_ =	shalt  }
0x4f: {  	_ =	shalt  }
0x50: {  	_ =	shalt  }
0x51: {  	_ =	shalt  }
0x52: {  	_ =	shalt  }
0x53: {  	_ =	shalt  }
0x54: {  	_ =	shalt  }
0x55: {  	_ =	shalt  }
0x56: {  	_ =	shalt  }
0x57: {  	_ =	shalt  }
0x58: {  	_ =	shalt  }
0x59: {  	_ =	shalt  }
0x5a: {  	_ =	shalt  }
0x5b: {  	_ =	shalt  }
0x5c: {  	_ =	shalt  }
0x5d: {  	_ =	shalt  }
0x5e: {  	_ =	shalt  }
0x5f: {  	_ =	shalt  }
0x60: {  	_ =	shalt  }
0x61: {  	_ =	shalt  }
0x62: {  	_ =	shalt  }
0x63: {  	_ =	shalt  }
0x64: {  	_ =	shalt  }
0x65: {  	_ =	shalt  }
0x66: {  	_ =	shalt  }
0x67: {  	_ =	shalt  }
0x68: {  	_ =	shalt  }
0x69: {  	_ =	shalt  }
0x6a: {  	_ =	shalt  }
0x6b: {  	_ =	shalt  }
0x6c: {  	_ =	shalt  }
0x6d: {  	_ =	shalt  }
0x6e: {  	_ =	shalt  }
0x6f: {  	_ =	shalt  }
0x70: {  	_ =	shalt  }
0x71: {  	_ =	shalt  }
0x72: {  	_ =	shalt  }
0x73: {  	_ =	shalt  }
0x74: {  	_ =	shalt  }
0x75: {  	_ =	shalt  }
0x76: {  	_ =	shalt  }
0x77: {  	_ =	shalt  }
0x78: {  	_ =	shalt  }
0x79: {  	_ =	shalt  }
0x7a: {  	_ =	shalt  }
0x7b: {  	_ =	shalt  }
0x7c: {  	_ =	shalt  }
0x7d: {  	_ =	shalt  }
0x7e: {  	_ =	shalt  }
0x7f: {  	_ =	shalt  }
0x80: {  	_ =	shalt  }
0x81: {  	_ =	shalt  }
0x82: {  	_ =	shalt  }
0x83: {  	_ =	shalt  }
0x84: {  	_ =	shalt  }
0x85: {  	_ =	shalt  }
0x86: {  	_ =	shalt  }
0x87: {  	_ =	shalt  }
.Lfunc_end0:
.L_simem_size_0:
called_computation_lowered:
.L_overlay_start_0:
0x88: {  	s2 =	sld [smem:$0x3FD9]  }
0x89: {  	s3 =	sld [smem:$0x3FFE];
	_ =	sdelay $0x1  }
0x8a: {  	s1 =	srdreg.scid  }
0x8b: {  	s0 =	sand.u32 $0x1, s1  }
0x8c: {  	s17 =	sshll.u32 s0, $0xA;
	s2 =	sadd.s32 s3, s2  }
0x8d: {  	s2 =	sadd.s32 s2, s17  }
0x8e: {  	[smem:$0x3FA4] =	sst s2  }
0x8f: {  	_ = 	snop  }
0x90: {  	s2 =	sld [smem:$0x3FC9];
	(tm) =	ssettm $0x1  }
0x91: {  	s18 =	sld [smem:$0x3FFB];
	_ =	sdelay $0x3  }
0x92: {  	_ =	strace s18  }
0x93: {  	s3 =	sld [smem:$0x3FFC];
	_ =	sdelay $0x3  }
0x94: {  	_ =	strace s3  }
0x95: {  	s3 =	sld [smem:$0x3FFD];
	_ =	sdelay $0x3  }
0x96: {  	_ =	strace s3  }
0x97: {  	_ =	strace $0x8FFFFFFF  }
0x98: {  	s19 =	sld [smem:$0x3FDB];
	_ =	sdelay $0x1  }
0x99: {  	s4 =	simm.s32 $_scs_section_size  }
0x9a: {  	s5 =	simm.s32 $_size__tile_overlayer_lowered;
	s6 =	simm.s32 $_tile_overlayer_lowered  }
0x9b: {  	s22 =	simm.s32 $0x1BFF;
	s21 =	sshll.u32 s6, $0x1;
	s3 =	sadd.s32 s4, s19  }
0x9c: {  	s7 =	simm.s32 $0x0;
	s20 =	sshll.u32 s5, $0x1;
	s5 =	sadd.s32 s21, s3  }
0x9d: {  	[timem:s7], [sflag:s22] =	dma.local [hbm:s5], s20  }
0x9e: {  	_ =	swait.ge [sflag:s22], s20  }
0x9f: {  	s4 =	ssub.s32 $0x0, s20;
	[sflag:s22] =	ssyncset.done $0x0  }
0xa0: {  	[sflag:s22] =	ssyncadd.s32 s4;
	_ =	sdelay $0x1  }
0xa1: {  	s23 =	simm.s32 $0x1B8B  }
0xa2: {  	_ =	swait.ge [sflag:s23], $0x1  }
0xa3: {  	[sflag:s23] =	ssyncset.done $0x0  }
0xa4: {  	s25 =	simm.s32 $0x1B8E;
	s24 =	sld [smem:$0x3FFE];
	[sflag:s23] =	ssyncadd.s32 $0xFFFFFFFF  }
0xa5: {  	s26 =	simm.s32 $execute0_lowered;
	[smem:$0x3FD2] =	sst s25  }
0xa6: {  	s5 =	sshll.u32 s26, $0x1;
	_ =	strace $0x80000046;
	[dreg:$0x1] =	wrdreg $0xFFFFFFFF  }
0xa7: {  	s28 =	simm.s32 $_size_execute0_lowered;
	s3 =	sadd.s32 s3, s5;
	[dreg:$0x0] =	wrdreg $0x0  }
0xa8: {  	s5 =	sshll.u32 s28, $0x1;
	[dreg:$0x2] =	wrdreg s3  }
0xa9: {  	[dreg:$0x3] =	wrdreg s5  }
0xaa: {  	[dreg:$0x4] =	wrdreg $0xC0  }
0xab: {  	_ =	task [dreg:s7], $0x5FFFF  }
0xac: {  	[dreg:$0x1] =	wrdreg $0xFFFFFFFF  }
0xad: {  	[dreg:$0x0] =	wrdreg $0x60  }
0xae: {  	[dreg:$0x2] =	wrdreg s2  }
0xaf: {  	[dreg:$0x3] =	wrdreg s24  }
0xb0: {  	[dreg:$0x4] =	wrdreg $0xA8000  }
0xb1: {  	[dreg:$0x5] =	wrdreg $0x9  }
0xb2: {  	_ =	task.clear_ibuf [dreg:s7], $0x6FFFF;
	_ =	strace $0x90000046  }
0xb3: {  	s29 =	simm.s32 $0x9;
	_ =	strace $0x80000048  }
0xb4: {  	_ =	swait.ge [sflag:s29], $0x1  }
0xb5: {  	[sflag:s29] =	ssyncadd.s32 $0xFFFFFFFF  }
0xb6: {  	_ =	strace $0x90000048  }
0xb7: {  	_ =	sfence  }
0xb8: {  	s30 =	sld [smem:$0x0];
	_ =	sdelay $0x2  }
0xb9: {  	s31 =	sshll.u32 s1, $0xD;
	s1 =	sshrl.u32 s1, $0x2  }
0xba: {  	s3 =	sand.u32 $0x4000, s31;
	s1 =	sadd.s32 s1, s30  }
0xbb: {  	s0 =	sor.u32 s3, s0;
	s1 =	sshll.u32 s1, $0x11  }
0xbc: {  	s0 =	sor.u32 s1, s0  }
0xbd: {  	s0 =	sadd.s32 $0x8F2B, s0  }
0xbe: {  	[sflag:s0] =	ssyncadd.remote.s32 $0x1  }
0xbf: {  	_ =	sfence.sel $0xFFFF  }
0xc0: {  	[dreg:$0x0] =	wrdreg $0xFFFFFFFF;
	(pc) =	sbr.abs _section_cstart, $3  }
0xc1: {  	[dreg:$0x1] =	wrdreg $0xFFFFFFFF  }
0xc2: {  	_ =	task.clear_ibuf [dreg:s7], $0x2FFFF;
	_ =	strace $0x9FFFFFFF  }
0xc3: {  	(tm) =	ssettm $0x7FFFFFFF  }
tec
execute0_lowered:
.L_overlay_start_1:
0x0: {  	(tag) =	ssettag $0x1  }
0x1: {  	s1 =	rddreg [dreg:$0x0]  }
0x2: {  	s7 =	rddreg [dreg:$0x1]  }
0x3: {  	s0 =	srdreg.scid;
	s3 =	rddreg [dreg:$0x2]  }
0x4: {  	s4 =	simm.s32 $0x0;
	s14 =	simm.s32 $0x3;
	s15 =	simm.s32 $0x1400  }
0x5: {  	s16 =	simm.s32 $0x80;
	s17 =	simm.s32 $0x2800;
	s18 =	simm.s32 $0x6800  }
0x6: {  	s19 =	simm.s32 $0x1;
	s20 =	simm.s32 $0x2;
	s6 =	sand.u32 $0x1, s0  }
0x7: {  	s21 =	simm.s32 $0x2700;
	s0 =	stileid.u32;
	s8 =	smul.u32 $0x140000, s6  }
0x8: {  	s22 =	simm.s32 $0x2780;
	s23 =	simm.s32 $0x0;
	s9 =	smul.u32 $0x14000, s0  }
0x9: {  	[smem:$0x7FF] =	sst s4;
	s2 =	sshll.u32 s6, $0x4;
	s28 =	smul.u32 $0x50000, s0  }
0xa: {  	s6 =	ssub.s32 $0x2, s6;
	s31 =	sshll.u32 s0, $0x6;
	s2 =	sor.u32 s0, s2  }
0xb: {  	s29 =	sshrl.u32 s6, $0x1;
	s5 =	smul.u32 $0x2800, s2;
	s2 =	rddreg [dreg:$0x3]  }
0xc: {  	_ =	strace $0x80000047;
	s8 =	sadd.s32 s9, s8;
	s30 =	sshrl.u32 s28, $0x2  }
0xd: {  	s12 =	ssub.s32 s6, s29;
	s6 =	sor.u32 $0x1C03, s31;
	s8 =	sshrl.u32 s8, $0x3  }
0xe: {  	s13 =	sadd.s32 s30, s3;
	s12 =	smax.u32 s12, $0x1;
	s5 =	sshrl.u32 s5, $0x3  }
0xf: {  	s11 =	sadd.s32 s8, s7;
	s13 =	sshrl.u32 s13, $0x3;
	s10 =	sadd.s32 s5, s7  }
0x10: {  	s5 =	sadd.s32 $0x19C00, s7;
	s11 =	sadd.s32 $0x1C400, s11;
	s7 =	sadd.s32 $0x5C00, s10  }
0x11: {  	s8 =	sadd.s32 $0xFC00, s10;
	s9 =	sadd.s32 $0x5E80, s10;
	s10 =	sadd.s32 $0xFE80, s10  }
.LBB2_1:
0x12: {  	[spmem:s13], [sflag:s6] =	dma.local [hbm:s5], $0x2800  }
0x13: {  	_ =	swait.ge [sflag:s14], $0x2800  }
0x14: {  	[sflag:s14] =	ssyncset.done $0x0  }
0x15: {  	[sflag:s14] =	ssyncadd.s32 $0xFFFFD800  }
0x16: {  	[bflag:$0x0] =	sbarrier.arrive $0xFFFF  }
0x17: {  	[tilespmem:s4], [sflag:$0x3] =	stream.linear.gather [hbm4b:s7+s4], $0x1400, $0x38;
	[tilespmem:$0x1E800] =	vst v63  }
0x18: {  	_ =	swait.ge [sflag:s14], $0x1400  }
0x19: {  	[sflag:s14] =	ssyncset.done $0x0  }
0x1a: {  	[sflag:s14] =	ssyncadd.s32 $0xFFFFEC00  }
0x1b: {  	[tilespmem:s15], [sflag:$0x3] =	stream.linear.gather [hbm4b:s8+s4], $0x1400, $0x38;
	[tilespmem:$0x1E800] =	vst v63  }
0x1c: {  	_ =	swait.ge [sflag:s14], $0x1400  }
0x1d: {  	[sflag:s14] =	ssyncset.done $0x0  }
0x1e: {  	[sflag:s14] =	ssyncadd.s32 $0xFFFFEC00  }
0x1f: {  	[tilespmem:s17], [sflag:$0x1] =	stream.indirect.gather [hbm4b:s1+s16], $0x80, s4, s16, $0xb8;
	[tilespmem:$0x1E800] =	vst v63  }
0x20: {  	_ = 	snop  }
0x21: {  	[tilespmem:s18], [sflag:$0x2] =	stream.indirect.gather [hbm4b:s1+s16], $0x80, s16, s16, $0xb8;
	[tilespmem:$0x1E800] =	vst v63  }
0x22: {  	_ =	swait.ge [sflag:s19], $0x4000  }
0x23: {  	[sflag:s19] =	ssyncset.done $0x0  }
0x24: {  	s24 =	simm.s32 $0x1400;
	[sflag:s19] =	ssyncadd.s32 $0xFFFFC000  }
0x25: {  	[spmem:s3] =	stream.indirect.scatter.add.f32 [tilespmem:s17], [sflag:$0x3], $0x80, s24, s16, $0xb8;
	[tilespmem:$0x1E800] =	vst v63  }
0x26: {  	_ =	swait.ge [sflag:s14], $0x4000  }
0x27: {  	[sflag:s14] =	ssyncset.done $0x0  }
0x28: {  	s30 =	simm.s32 $0x100;
	[sflag:s14] =	ssyncadd.s32 $0xFFFFC000  }
0x29: {  	[tilespmem:s17], [sflag:$0x1] =	stream.indirect.gather [hbm4b:s1+s16], $0x80, s30, s16, $0xb8;
	[tilespmem:$0x1E800] =	vst v63  }
0x2a: {  	_ =	swait.ge [sflag:s20], $0x4000  }
0x2b: {  	[sflag:s20] =	ssyncset.done $0x0  }
0x2c: {  	s31 =	simm.s32 $0x1480;
	[sflag:s20] =	ssyncadd.s32 $0xFFFFC000  }
0x2d: {  	[spmem:s3] =	stream.indirect.scatter.add.f32 [tilespmem:s18], [sflag:$0x3], $0x80, s31, s16, $0xb8;
	[tilespmem:$0x1E800] =	vst v63  }
0x2e: {  	_ =	swait.ge [sflag:s14], $0x4000  }
0x2f: {  	[sflag:s14] =	ssyncset.done $0x0  }
0x30: {  	s25 =	simm.s32 $0x180;
	s24 =	simm.s32 $0x400;
	[sflag:s14] =	ssyncadd.s32 $0xFFFFC000  }
.LBB2_2:
0x31: {  	[tilespmem:s18], [sflag:$0x2] =	stream.indirect.gather [hbm4b:s1+s16], $0x80, s25, s16, $0xb8;
	[tilespmem:$0x1E800] =	vst v63  }
0x32: {  	s25 =	smov.u32 s24  }
0x33: {  	p0 =	sne.s32 s24, $0x4800;
	s24 =	sadd.s32 $0x400, s24;
	_ =	swait.ge [sflag:s19], $0x4000  }
0x34: {  	s25 =	sshra.s32 s25, $0x2;
	[sflag:s19] =	ssyncset.done $0x0  }
0x35: {  	s26 =	sadd.s32 $0x1400, s25;
	[sflag:s19] =	ssyncadd.s32 $0xFFFFC000  }
0x36: {  	[spmem:s3] =	stream.indirect.scatter.add.f32 [tilespmem:s17], [sflag:$0x3], $0x80, s26, s16, $0xb8;
	[tilespmem:$0x1E800] =	vst v63  }
0x37: {  	_ =	swait.ge [sflag:s14], $0x4000  }
0x38: {  	[sflag:s14] =	ssyncset.done $0x0  }
0x39: {  	s26 =	sadd.s32 $0x100, s25;
	[sflag:s14] =	ssyncadd.s32 $0xFFFFC000  }
0x3a: {  	[tilespmem:s17], [sflag:$0x1] =	stream.indirect.gather [hbm4b:s1+s16], $0x80, s26, s16, $0xb8;
	[tilespmem:$0x1E800] =	vst v63  }
0x3b: {  	_ =	swait.ge [sflag:s20], $0x4000  }
0x3c: {  	[sflag:s20] =	ssyncset.done $0x0  }
.Ltmp0:
0x3d: {  	s26 =	sadd.s32 $0x1480, s25;
	[sflag:s20] =	ssyncadd.s32 $0xFFFFC000;
	(pc) =	sbr.rel @p0 .LBB2_2-.Ltmp0, $4  }
0x3e: {  	[spmem:s3] =	stream.indirect.scatter.add.f32 [tilespmem:s18], [sflag:$0x3], $0x80, s26, s16, $0xb8;
	[tilespmem:$0x1E800] =	vst v63  }
0x3f: {  	_ =	swait.ge [sflag:s14], $0x4000  }
0x40: {  	[sflag:s14] =	ssyncset.done $0x0  }
0x41: {  	s25 =	sadd.s32 $0x180, s25;
	[sflag:s14] =	ssyncadd.s32 $0xFFFFC000  }
0x42: {  	[tilespmem:s18], [sflag:$0x2] =	stream.indirect.gather [hbm4b:s1+s16], $0x80, s25, s16, $0xb8;
	[tilespmem:$0x1E800] =	vst v63  }
0x43: {  	_ =	swait.ge [sflag:s19], $0x4000  }
0x44: {  	[sflag:s19] =	ssyncset.done $0x0  }
0x45: {  	[sflag:s19] =	ssyncadd.s32 $0xFFFFC000  }
0x46: {  	[spmem:s3] =	stream.indirect.scatter.add.f32 [tilespmem:s17], [sflag:$0x3], $0x80, s21, s16, $0xb8;
	[tilespmem:$0x1E800] =	vst v63  }
0x47: {  	_ =	swait.ge [sflag:s14], $0x4000  }
0x48: {  	[sflag:s14] =	ssyncset.done $0x0  }
0x49: {  	[sflag:s14] =	ssyncadd.s32 $0xFFFFC000  }
0x4a: {  	_ =	swait.ge [sflag:s20], $0x4000  }
0x4b: {  	[sflag:s20] =	ssyncset.done $0x0  }
0x4c: {  	[sflag:s20] =	ssyncadd.s32 $0xFFFFC000  }
0x4d: {  	[spmem:s3] =	stream.indirect.scatter.add.f32 [tilespmem:s18], [sflag:$0x3], $0x80, s22, s16, $0xb8;
	[tilespmem:$0x1E800] =	vst v63  }
0x4e: {  	_ =	swait.ge [sflag:s14], $0x4000  }
0x4f: {  	[sflag:s14] =	ssyncset.done $0x0  }
0x50: {  	s24 =	simm.s32 $0x0;
	[sflag:s14] =	ssyncadd.s32 $0xFFFFC000  }
0x51: {  	[tilespmem:s24], [sflag:$0x3] =	stream.linear.gather [hbm4b:s9+s24], $0x1400, $0x38;
	[tilespmem:$0x1E800] =	vst v63  }
0x52: {  	_ =	swait.ge [sflag:s14], $0x1400  }
0x53: {  	[sflag:s14] =	ssyncset.done $0x0  }
0x54: {  	[sflag:s14] =	ssyncadd.s32 $0xFFFFEC00  }
0x55: {  	[tilespmem:s15], [sflag:$0x3] =	stream.linear.gather [hbm4b:s10+s24], $0x1400, $0x38;
	[tilespmem:$0x1E800] =	vst v63  }
0x56: {  	_ =	swait.ge [sflag:s14], $0x1400  }
0x57: {  	[sflag:s14] =	ssyncset.done $0x0  }
0x58: {  	[sflag:s14] =	ssyncadd.s32 $0xFFFFEC00  }
0x59: {  	[tilespmem:s17], [sflag:$0x1] =	stream.indirect.gather [hbm4b:s1+s16], $0x80, s24, s16, $0xb8;
	[tilespmem:$0x1E800] =	vst v63  }
0x5a: {  	_ = 	snop  }
0x5b: {  	[tilespmem:s18], [sflag:$0x2] =	stream.indirect.gather [hbm4b:s1+s16], $0x80, s16, s16, $0xb8;
	[tilespmem:$0x1E800] =	vst v63  }
0x5c: {  	_ =	swait.ge [sflag:s19], $0x4000  }
0x5d: {  	[sflag:s19] =	ssyncset.done $0x0  }
0x5e: {  	s29 =	simm.s32 $0x1400;
	[sflag:s19] =	ssyncadd.s32 $0xFFFFC000  }
0x5f: {  	[spmem:s3] =	stream.indirect.scatter.add.f32 [tilespmem:s17], [sflag:$0x3], $0x80, s29, s16, $0xb8;
	[tilespmem:$0x1E800] =	vst v63  }
0x60: {  	_ =	swait.ge [sflag:s14], $0x4000  }
0x61: {  	[sflag:s14] =	ssyncset.done $0x0  }
0x62: {  	s30 =	simm.s32 $0x100;
	[sflag:s14] =	ssyncadd.s32 $0xFFFFC000  }
0x63: {  	[tilespmem:s17], [sflag:$0x1] =	stream.indirect.gather [hbm4b:s1+s16], $0x80, s30, s16, $0xb8;
	[tilespmem:$0x1E800] =	vst v63  }
0x64: {  	_ =	swait.ge [sflag:s20], $0x4000  }
0x65: {  	[sflag:s20] =	ssyncset.done $0x0  }
0x66: {  	s31 =	simm.s32 $0x1480;
	[sflag:s20] =	ssyncadd.s32 $0xFFFFC000  }
0x67: {  	[spmem:s3] =	stream.indirect.scatter.add.f32 [tilespmem:s18], [sflag:$0x3], $0x80, s31, s16, $0xb8;
	[tilespmem:$0x1E800] =	vst v63  }
0x68: {  	_ =	swait.ge [sflag:s14], $0x4000  }
0x69: {  	[sflag:s14] =	ssyncset.done $0x0  }
0x6a: {  	s25 =	simm.s32 $0x180;
	s24 =	simm.s32 $0x400;
	[sflag:s14] =	ssyncadd.s32 $0xFFFFC000  }
.LBB2_4:
0x6b: {  	[tilespmem:s18], [sflag:$0x2] =	stream.indirect.gather [hbm4b:s1+s16], $0x80, s25, s16, $0xb8;
	[tilespmem:$0x1E800] =	vst v63  }
0x6c: {  	s25 =	smov.u32 s24  }
0x6d: {  	p0 =	sne.s32 s24, $0x4800;
	s24 =	sadd.s32 $0x400, s24;
	_ =	swait.ge [sflag:s19], $0x4000  }
0x6e: {  	s25 =	sshra.s32 s25, $0x2;
	[sflag:s19] =	ssyncset.done $0x0  }
0x6f: {  	s26 =	sadd.s32 $0x1400, s25;
	[sflag:s19] =	ssyncadd.s32 $0xFFFFC000  }
0x70: {  	[spmem:s3] =	stream.indirect.scatter.add.f32 [tilespmem:s17], [sflag:$0x3], $0x80, s26, s16, $0xb8;
	[tilespmem:$0x1E800] =	vst v63  }
0x71: {  	_ =	swait.ge [sflag:s14], $0x4000  }
0x72: {  	[sflag:s14] =	ssyncset.done $0x0  }
0x73: {  	s26 =	sadd.s32 $0x100, s25;
	[sflag:s14] =	ssyncadd.s32 $0xFFFFC000  }
0x74: {  	[tilespmem:s17], [sflag:$0x1] =	stream.indirect.gather [hbm4b:s1+s16], $0x80, s26, s16, $0xb8;
	[tilespmem:$0x1E800] =	vst v63  }
0x75: {  	_ =	swait.ge [sflag:s20], $0x4000  }
0x76: {  	[sflag:s20] =	ssyncset.done $0x0  }
.Ltmp1:
0x77: {  	s26 =	sadd.s32 $0x1480, s25;
	[sflag:s20] =	ssyncadd.s32 $0xFFFFC000;
	(pc) =	sbr.rel @p0 .LBB2_4-.Ltmp1, $4  }
0x78: {  	[spmem:s3] =	stream.indirect.scatter.add.f32 [tilespmem:s18], [sflag:$0x3], $0x80, s26, s16, $0xb8;
	[tilespmem:$0x1E800] =	vst v63  }
0x79: {  	_ =	swait.ge [sflag:s14], $0x4000  }
0x7a: {  	[sflag:s14] =	ssyncset.done $0x0  }
0x7b: {  	s25 =	sadd.s32 $0x180, s25;
	[sflag:s14] =	ssyncadd.s32 $0xFFFFC000  }
0x7c: {  	[tilespmem:s18], [sflag:$0x2] =	stream.indirect.gather [hbm4b:s1+s16], $0x80, s25, s16, $0xb8;
	[tilespmem:$0x1E800] =	vst v63  }
0x7d: {  	_ =	swait.ge [sflag:s19], $0x4000  }
0x7e: {  	[sflag:s19] =	ssyncset.done $0x0  }
0x7f: {  	[sflag:s19] =	ssyncadd.s32 $0xFFFFC000  }
0x80: {  	[spmem:s3] =	stream.indirect.scatter.add.f32 [tilespmem:s17], [sflag:$0x3], $0x80, s21, s16, $0xb8;
	[tilespmem:$0x1E800] =	vst v63  }
0x81: {  	_ =	swait.ge [sflag:s14], $0x4000  }
0x82: {  	[sflag:s14] =	ssyncset.done $0x0  }
0x83: {  	[sflag:s14] =	ssyncadd.s32 $0xFFFFC000  }
0x84: {  	_ =	swait.ge [sflag:s20], $0x4000  }
0x85: {  	[sflag:s20] =	ssyncset.done $0x0  }
0x86: {  	[sflag:s20] =	ssyncadd.s32 $0xFFFFC000  }
0x87: {  	[spmem:s3] =	stream.indirect.scatter.add.f32 [tilespmem:s18], [sflag:$0x3], $0x80, s22, s16, $0xb8;
	[tilespmem:$0x1E800] =	vst v63  }
0x88: {  	_ =	swait.ge [sflag:s14], $0x4000  }
0x89: {  	s23 =	sadd.s32 $0x1, s23;
	[sflag:s14] =	ssyncset.done $0x0  }
0x8a: {  	p0 =	sne.s32 s23, s12;
	[sflag:s14] =	ssyncadd.s32 $0xFFFFC000  }
.Ltmp2:
0x8b: {  	[bflag:$0x0] =	sbarrier.arrive $0xFFFF;
	(pc) =	sbr.rel @p0 .LBB2_1-.Ltmp2, $4  }
0x8c: {  	[hbm:s11], [sflag:s6] =	dma.local [spmem:s13], $0x2800  }
0x8d: {  	_ =	swait.ge [sflag:s14], $0x2800  }
0x8e: {  	[sflag:s14] =	ssyncset.done $0x0  }
0x8f: {  	[sflag:s14] =	ssyncadd.s32 $0xFFFFD800  }
0x90: {  	_ =	sfence.sel $0x180000  }
0x91: {  	[bflag:$0x0] =	sbarrier.arrive $0xFFFF  }
0x92: {  	p0 =	sne.s32 s0, $0x0;
	_ =	strace $0x90000047  }
0x93: {  	s0 =	sadd.s32 @!p0 $0x100000, s2;
	[bflag:$0x2] =	sbarrier.arrive $0xFFFF  }
0x94: {  	[sflag:s0] =	ssyncadd.tile.s32 @!p0 $0x1;
	_ =	shalt  }
.Lfunc_end2:
_tile_overlayer_lowered:
.L_overlay_start_2:
0x95: {  	(tag) =	ssettag $0x2  }
0x96: {  	s0 =	rddreg [dreg:$0x0];
	s2 =	stileid.u32  }
0x97: {  	s1 =	rddreg [dreg:$0x1];
	p0 =	sne.s32 s2, $0x0  }
0x98: {  	s3 =	rddreg [dreg:$0x2];
	[bflag:$0x3] =	sbarrier.arrive $0xFFFF;
	s2 =	simm.s32 @!p0 $0x1C03  }
0x99: {  	[timem:s3], [sflag:s2] =	dma.local @!p0 [hbm:s0], s1  }
0x9a: {  	s0 =	simm.s32 @!p0 $0x3  }
0x9b: {  	_ =	swait.ge @!p0 [sflag:s0], s1  }
0x9c: {  	s1 =	ssub.s32 @!p0 $0x0, s1;
	[sflag:s0] =	ssyncset.done @!p0 $0x0  }
0x9d: {  	[sflag:s0] =	ssyncadd.s32 @!p0 s1  }
0x9e: {  	[bflag:$0x3] =	sbarrier.arrive $0xFFFF  }
0x9f: {  	_ =	shalt  }

// kernel: kernel.9.cloned.1.call-start
scs
__scs_entry_jumppad:
0x0: {  	(pc) =	sbr.rel $0x88, $3  }
0x1: {  	(tag) =	ssettag $0x0;
	lr =	simm.s32 $0x1  }
0x2: {  	[smem:$0x3F7D] =	sst lr;
	_ =	strace $0xD0000000  }
0x3: {  	_ = 	snop  }
0x4: {  	_ = 	snop  }
0x5: {  	_ = 	snop  }
0x6: {  	_ = 	snop  }
0x7: {  	_ = 	snop  }
__scs_overlays_trampoline_lowered:
0x8: {  	[smem:$0x3F8C] =	sst s0  }
0x9: {  	[smem:$0x3F8D] =	sst s1  }
0xa: {  	[smem:$0x3F8E] =	sst s2  }
0xb: {  	[smem:$0x3F8F] =	sst s3  }
0xc: {  	[smem:$0x3F90] =	sst s4  }
0xd: {  	[smem:$0x3F91] =	sst s5  }
0xe: {  	[smem:$0x3F92] =	sst s6  }
0xf: {  	[smem:$0x3F93] =	sst s7  }
0x10: {  	[smem:$0x3F94] =	sst s8  }
0x11: {  	[smem:$0x3F95] =	sst s9;
	s0 =	simm.s32 @!p0 $0x0  }
0x12: {  	s1 =	sld [smem:$0x3F7B];
	s0 =	simm.s32 @p0 $0x1  }
0x13: {  	[smem:$0x3F96] =	sst s0;
	s0 =	simm.s32 @!p1 $0x0  }
0x14: {  	s2 =	sld [smem:$0x3F7A];
	s0 =	simm.s32 @p1 $0x1  }
0x15: {  	[smem:$0x3F97] =	sst s0;
	s0 =	simm.s32 @!p2 $0x0  }
0x16: {  	s3 =	sld [smem:$0x3FDB];
	s0 =	simm.s32 @p2 $0x1  }
0x17: {  	s4 =	simm.s32 $0x1BF5;
	[smem:$0x3F99] =	sst s0  }
0x18: {  	s0 =	sld [smem:$0x3F7C];
	_ =	swait.ge [sflag:s4], $0x0  }
0x19: {  	s7 =	sld [smem:$0x3F7D]  }
0x1a: {  	s8 =	sadd.s32 $0xFFFFE003, lr  }
0x1b: {  	s9 =	sadd.s32 $0xFFFFFEF7, lr;
	s5 =	simm.s32 $0xFFFFFFFF;
	p2 =	slt.u32 s8, $0xFFFFF086  }
0x1c: {  	p1 =	slt.u32 s9, $0xF7A;
	s5 =	simm.s32 @!p2 $0x0  }
0x1d: {  	s5 =	simm.s32 @p1 $0x1;
	p0 =	seq.s32 s7, s2  }
0x1e: {  	s7 =	smul.u32 @!p0 $0xF7A, s2;
	p2 =	seq.s32 @!p0 s5, $0x0  }
0x1f: {  	s9 =	smul.u32 $0xF7A, s1;
	s8 =	simm.s32 @!p0 $0x1BF5;
	p2 =	por !p2, p0  }
0x20: {  	[sflag:s8] =	ssyncset.s32 @!p0 $0xFFFFF086;
	s6 =	sadd.s32 @!p0 s3, s7;
	s7 =	simm.s32 @!p0 $0x108  }
0x21: {  	s3 =	sadd.s32 s3, s9;
	s6 =	sadd.s32 @!p0 $0x88, s6;
	s7 =	simm.s32 @p2 $0x1082  }
0x22: {  	[simem:s7], [sflag:s8] =	dma.local @!p0 [hbm:s6], $0xF7A  }
0x23: {  	s9 =	sor.u32 $0xD0000000, s2;
	s6 =	simm.s32 $0x108;
	_ =	swait.ge @!p0 [sflag:s8], $0x0  }
0x24: {  	s3 =	sadd.s32 $0x88, s3;
	s6 =	simm.s32 @!p1 $0x1082;
	[sflag:s4] =	ssyncset.s32 $0xFFFFF086  }
0x25: {  	[simem:s6], [sflag:s4] =	dma.local [hbm:s3], $0xF7A  }
0x26: {  	[smem:$0x3F7D] =	sst s1;
	(tag) =	ssettag s2;
	_ =	strace s9  }
0x27: {  	s1 =	sld [smem:$0x3F8D]  }
0x28: {  	s2 =	sld [smem:$0x3F8E]  }
0x29: {  	s4 =	sld [smem:$0x3F90]  }
0x2a: {  	p0 =	seq.s32 s5, $0x0;
	s5 =	sld [smem:$0x3F91]  }
0x2b: {  	s6 =	sld [smem:$0x3F92]  }
0x2c: {  	s7 =	sld [smem:$0x3F93]  }
0x2d: {  	s3 =	simm.s32 $0x108;
	s8 =	sld [smem:$0x3F94]  }
0x2e: {  	s3 =	simm.s32 @!p0 $0x1082;
	s9 =	sld [smem:$0x3F95]  }
0x2f: {  	lr =	sadd.s32 s0, s3;
	s0 =	sld [smem:$0x3F8C]  }
0x30: {  	s3 =	sld [smem:$0x3F8F]  }
0x31: {  	[smem:$0x3F98] =	sst s10  }
0x32: {  	s10 =	sld [smem:$0x3F96];
	_ =	sdelay $0x3  }
0x33: {  	p0 =	seq.s32 s10, $0x1;
	s10 =	sld [smem:$0x3F98];
	_ =	sdelay $0x3  }
0x34: {  	[smem:$0x3F98] =	sst s10  }
0x35: {  	s10 =	sld [smem:$0x3F97];
	_ =	sdelay $0x3  }
0x36: {  	p1 =	seq.s32 s10, $0x1;
	s10 =	sld [smem:$0x3F98];
	_ =	sdelay $0x3  }
0x37: {  	[smem:$0x3F98] =	sst s10  }
0x38: {  	s10 =	sld [smem:$0x3F99]  }
0x39: {  	_ = 	snop;
	(pc) =	sbr.ind lr, $3  }
0x3a: {  	_ = 	snop  }
0x3b: {  	_ = 	snop  }
0x3c: {  	p2 =	seq.s32 s10, $0x1;
	s10 =	sld [smem:$0x3F98]  }
0x3d: {  	_ =	shalt  }
0x3e: {  	_ =	shalt  }
0x3f: {  	_ =	shalt  }
0x40: {  	_ =	shalt  }
0x41: {  	_ =	shalt  }
0x42: {  	_ =	shalt  }
0x43: {  	_ =	shalt  }
0x44: {  	_ =	shalt  }
0x45: {  	_ =	shalt  }
0x46: {  	_ =	shalt  }
0x47: {  	_ =	shalt  }
0x48: {  	_ =	shalt  }
0x49: {  	_ =	shalt  }
0x4a: {  	_ =	shalt  }
0x4b: {  	_ =	shalt  }
0x4c: {  	_ =	shalt  }
0x4d: {  	_ =	shalt  }
0x4e: {  	_ =	shalt  }
0x4f: {  	_ =	shalt  }
0x50: {  	_ =	shalt  }
0x51: {  	_ =	shalt  }
0x52: {  	_ =	shalt  }
0x53: {  	_ =	shalt  }
0x54: {  	_ =	shalt  }
0x55: {  	_ =	shalt  }
0x56: {  	_ =	shalt  }
0x57: {  	_ =	shalt  }
0x58: {  	_ =	shalt  }
0x59: {  	_ =	shalt  }
0x5a: {  	_ =	shalt  }
0x5b: {  	_ =	shalt  }
0x5c: {  	_ =	shalt  }
0x5d: {  	_ =	shalt  }
0x5e: {  	_ =	shalt  }
0x5f: {  	_ =	shalt  }
0x60: {  	_ =	shalt  }
0x61: {  	_ =	shalt  }
0x62: {  	_ =	shalt  }
0x63: {  	_ =	shalt  }
0x64: {  	_ =	shalt  }
0x65: {  	_ =	shalt  }
0x66: {  	_ =	shalt  }
0x67: {  	_ =	shalt  }
0x68: {  	_ =	shalt  }
0x69: {  	_ =	shalt  }
0x6a: {  	_ =	shalt  }
0x6b: {  	_ =	shalt  }
0x6c: {  	_ =	shalt  }
0x6d: {  	_ =	shalt  }
0x6e: {  	_ =	shalt  }
0x6f: {  	_ =	shalt  }
0x70: {  	_ =	shalt  }
0x71: {  	_ =	shalt  }
0x72: {  	_ =	shalt  }
0x73: {  	_ =	shalt  }
0x74: {  	_ =	shalt  }
0x75: {  	_ =	shalt  }
0x76: {  	_ =	shalt  }
0x77: {  	_ =	shalt  }
0x78: {  	_ =	shalt  }
0x79: {  	_ =	shalt  }
0x7a: {  	_ =	shalt  }
0x7b: {  	_ =	shalt  }
0x7c: {  	_ =	shalt  }
0x7d: {  	_ =	shalt  }
0x7e: {  	_ =	shalt  }
0x7f: {  	_ =	shalt  }
0x80: {  	_ =	shalt  }
0x81: {  	_ =	shalt  }
0x82: {  	_ =	shalt  }
0x83: {  	_ =	shalt  }
0x84: {  	_ =	shalt  }
0x85: {  	_ =	shalt  }
0x86: {  	_ =	shalt  }
0x87: {  	_ =	shalt  }
.Lfunc_end0:
.L_simem_size_0:
called_computation.1_lowered:
.L_overlay_start_0:
0x88: {  	s2 =	sld [smem:$0x3FD9]  }
0x89: {  	s3 =	sld [smem:$0x3FFE];
	_ =	sdelay $0x1  }
0x8a: {  	s1 =	srdreg.scid  }
0x8b: {  	s0 =	sand.u32 $0x1, s1  }
0x8c: {  	s16 =	sshll.u32 s0, $0xA;
	s2 =	sadd.s32 s3, s2  }
0x8d: {  	s2 =	sadd.s32 s2, s16  }
0x8e: {  	[smem:$0x3FA4] =	sst s2  }
0x8f: {  	_ = 	snop  }
0x90: {  	(tm) =	ssettm $0x1  }
0x91: {  	s17 =	sld [smem:$0x3FFB];
	_ =	sdelay $0x3  }
0x92: {  	_ =	strace s17  }
0x93: {  	s2 =	sld [smem:$0x3FFC];
	_ =	sdelay $0x3  }
0x94: {  	_ =	strace s2  }
0x95: {  	s2 =	sld [smem:$0x3FFD];
	_ =	sdelay $0x3  }
0x96: {  	_ =	strace s2  }
0x97: {  	_ =	strace $0x8FFFFFFF  }
0x98: {  	s18 =	sld [smem:$0x3FDB];
	_ =	sdelay $0x1  }
0x99: {  	s19 =	simm.s32 $_scs_section_size  }
0x9a: {  	s4 =	simm.s32 $_size__tile_overlayer_lowered;
	s5 =	simm.s32 $_tile_overlayer_lowered  }
0x9b: {  	s22 =	simm.s32 $0x1BFF;
	s21 =	sshll.u32 s5, $0x1;
	s2 =	sadd.s32 s19, s18  }
0x9c: {  	s6 =	simm.s32 $0x0;
	s20 =	sshll.u32 s4, $0x1;
	s4 =	sadd.s32 s21, s2  }
0x9d: {  	[timem:s6], [sflag:s22] =	dma.local [hbm:s4], s20  }
0x9e: {  	_ =	swait.ge [sflag:s22], s20  }
0x9f: {  	s3 =	ssub.s32 $0x0, s20;
	[sflag:s22] =	ssyncset.done $0x0  }
0xa0: {  	[sflag:s22] =	ssyncadd.s32 s3;
	_ =	sdelay $0x1  }
0xa1: {  	s23 =	simm.s32 $0x1B8B  }
0xa2: {  	_ =	swait.ge [sflag:s23], $0x1  }
0xa3: {  	[sflag:s23] =	ssyncset.done $0x0  }
0xa4: {  	s25 =	simm.s32 $0x1B8E;
	s24 =	sld [smem:$0x3FFE];
	[sflag:s23] =	ssyncadd.s32 $0xFFFFFFFF  }
0xa5: {  	s26 =	simm.s32 $execute0_lowered;
	[smem:$0x3FD2] =	sst s25  }
0xa6: {  	s4 =	sshll.u32 s26, $0x1;
	_ =	strace $0x80000049;
	[dreg:$0x1] =	wrdreg $0xFFFFFFFF  }
0xa7: {  	s28 =	simm.s32 $_size_execute0_lowered;
	s2 =	sadd.s32 s2, s4;
	[dreg:$0x0] =	wrdreg $0x0  }
0xa8: {  	s4 =	sshll.u32 s28, $0x1;
	[dreg:$0x2] =	wrdreg s2  }
0xa9: {  	[dreg:$0x3] =	wrdreg s4  }
0xaa: {  	[dreg:$0x4] =	wrdreg $0xC0  }
0xab: {  	_ =	task [dreg:s6], $0x5FFFF  }
0xac: {  	[dreg:$0x1] =	wrdreg $0xFFFFFFFF  }
0xad: {  	[dreg:$0x0] =	wrdreg $0x60  }
0xae: {  	[dreg:$0x2] =	wrdreg s24  }
0xaf: {  	[dreg:$0x3] =	wrdreg $0xA8000  }
0xb0: {  	[dreg:$0x4] =	wrdreg $0x9  }
0xb1: {  	_ =	task.clear_ibuf [dreg:s6], $0x5FFFF;
	_ =	strace $0x90000049  }
0xb2: {  	s29 =	simm.s32 $0x9;
	_ =	strace $0x8000004B  }
0xb3: {  	_ =	swait.ge [sflag:s29], $0x1  }
0xb4: {  	[sflag:s29] =	ssyncadd.s32 $0xFFFFFFFF  }
0xb5: {  	_ =	strace $0x9000004B  }
0xb6: {  	_ =	sfence  }
0xb7: {  	s30 =	sld [smem:$0x0];
	_ =	sdelay $0x2  }
0xb8: {  	s31 =	sshll.u32 s1, $0xD;
	s1 =	sshrl.u32 s1, $0x2  }
0xb9: {  	s3 =	sand.u32 $0x4000, s31;
	s1 =	sadd.s32 s1, s30  }
0xba: {  	s0 =	sor.u32 s3, s0;
	s1 =	sshll.u32 s1, $0x11  }
0xbb: {  	s0 =	sor.u32 s1, s0  }
0xbc: {  	s0 =	sadd.s32 $0x8F2B, s0  }
0xbd: {  	[sflag:s0] =	ssyncadd.remote.s32 $0x1  }
0xbe: {  	_ =	sfence.sel $0xFFFF  }
0xbf: {  	[dreg:$0x0] =	wrdreg $0xFFFFFFFF;
	(pc) =	sbr.abs _section_cstart, $3  }
0xc0: {  	[dreg:$0x1] =	wrdreg $0xFFFFFFFF  }
0xc1: {  	_ =	task.clear_ibuf [dreg:s6], $0x2FFFF;
	_ =	strace $0x9FFFFFFF  }
0xc2: {  	(tm) =	ssettm $0x7FFFFFFF  }
0xc3: {  	_ =	shalt  }
tec
execute0_lowered:
.L_overlay_start_1:
0x0: {  	(tag) =	ssettag $0x1  }
0x1: {  	s7 =	rddreg [dreg:$0x0]  }
0x2: {  	s0 =	srdreg.scid;
	s2 =	rddreg [dreg:$0x1];
	s3 =	simm.s32 $0x0  }
0x3: {  	s14 =	simm.s32 $0x3;
	s15 =	simm.s32 $0x1400;
	s16 =	simm.s32 $0x80  }
0x4: {  	s17 =	simm.s32 $0x2800;
	s18 =	simm.s32 $0x6800;
	s19 =	simm.s32 $0x1  }
0x5: {  	s20 =	simm.s32 $0x2;
	s21 =	simm.s32 $0x2700;
	s6 =	sand.u32 $0x1, s0  }
0x6: {  	s22 =	simm.s32 $0x2780;
	s0 =	stileid.u32;
	s8 =	smul.u32 $0x140000, s6  }
0x7: {  	s23 =	simm.s32 $0x0;
	[smem:$0x7FF] =	sst s3;
	s9 =	smul.u32 $0x14000, s0  }
0x8: {  	s4 =	sadd.s32 $0x1C400, s7;
	s1 =	sshll.u32 s6, $0x4;
	s28 =	smul.u32 $0x50000, s0  }
0x9: {  	s6 =	ssub.s32 $0x2, s6;
	s31 =	sshll.u32 s0, $0x6;
	s1 =	sor.u32 s0, s1  }
0xa: {  	s29 =	sshrl.u32 s6, $0x1;
	s5 =	smul.u32 $0x2800, s1;
	s1 =	rddreg [dreg:$0x2]  }
0xb: {  	_ =	strace $0x8000004A;
	s8 =	sadd.s32 s9, s8;
	s30 =	sshrl.u32 s28, $0x2  }
0xc: {  	s12 =	ssub.s32 s6, s29;
	s6 =	sor.u32 $0x1C03, s31;
	s8 =	sshrl.u32 s8, $0x3  }
0xd: {  	s13 =	sadd.s32 s30, s2;
	s12 =	smax.u32 s12, $0x1;
	s5 =	sshrl.u32 s5, $0x3  }
0xe: {  	s11 =	sadd.s32 s8, s7;
	s13 =	sshrl.u32 s13, $0x3;
	s10 =	sadd.s32 s5, s7  }
0xf: {  	s5 =	sadd.s32 $0x19C00, s7;
	s11 =	sadd.s32 $0x43600, s11;
	s7 =	sadd.s32 $0x5C00, s10  }
0x10: {  	s8 =	sadd.s32 $0xFC00, s10;
	s9 =	sadd.s32 $0x5E80, s10;
	s10 =	sadd.s32 $0xFE80, s10  }
.LBB2_1:
0x11: {  	[spmem:s13], [sflag:s6] =	dma.local [hbm:s5], $0x2800  }
0x12: {  	_ =	swait.ge [sflag:s14], $0x2800  }
0x13: {  	[sflag:s14] =	ssyncset.done $0x0  }
0x14: {  	[sflag:s14] =	ssyncadd.s32 $0xFFFFD800  }
0x15: {  	[bflag:$0x0] =	sbarrier.arrive $0xFFFF  }
0x16: {  	[tilespmem:s3], [sflag:$0x3] =	stream.linear.gather [hbm4b:s7+s3], $0x1400, $0x38;
	[tilespmem:$0x1E800] =	vst v63  }
0x17: {  	_ =	swait.ge [sflag:s14], $0x1400  }
0x18: {  	[sflag:s14] =	ssyncset.done $0x0  }
0x19: {  	[sflag:s14] =	ssyncadd.s32 $0xFFFFEC00  }
0x1a: {  	[tilespmem:s15], [sflag:$0x3] =	stream.linear.gather [hbm4b:s8+s3], $0x1400, $0x38;
	[tilespmem:$0x1E800] =	vst v63  }
0x1b: {  	_ =	swait.ge [sflag:s14], $0x1400  }
0x1c: {  	[sflag:s14] =	ssyncset.done $0x0  }
0x1d: {  	[sflag:s14] =	ssyncadd.s32 $0xFFFFEC00  }
0x1e: {  	[tilespmem:s17], [sflag:$0x1] =	stream.indirect.gather [hbm4b:s4+s16], $0x80, s3, s16, $0xb8;
	[tilespmem:$0x1E800] =	vst v63  }
0x1f: {  	_ = 	snop  }
0x20: {  	[tilespmem:s18], [sflag:$0x2] =	stream.indirect.gather [hbm4b:s4+s16], $0x80, s16, s16, $0xb8;
	[tilespmem:$0x1E800] =	vst v63  }
0x21: {  	_ =	swait.ge [sflag:s19], $0x4000  }
0x22: {  	[sflag:s19] =	ssyncset.done $0x0  }
0x23: {  	s24 =	simm.s32 $0x1400;
	[sflag:s19] =	ssyncadd.s32 $0xFFFFC000  }
0x24: {  	[spmem:s2] =	stream.indirect.scatter.add.f32 [tilespmem:s17], [sflag:$0x3], $0x80, s24, s16, $0xb8;
	[tilespmem:$0x1E800] =	vst v63  }
0x25: {  	_ =	swait.ge [sflag:s14], $0x4000  }
0x26: {  	[sflag:s14] =	ssyncset.done $0x0  }
0x27: {  	s30 =	simm.s32 $0x100;
	[sflag:s14] =	ssyncadd.s32 $0xFFFFC000  }
0x28: {  	[tilespmem:s17], [sflag:$0x1] =	stream.indirect.gather [hbm4b:s4+s16], $0x80, s30, s16, $0xb8;
	[tilespmem:$0x1E800] =	vst v63  }
0x29: {  	_ =	swait.ge [sflag:s20], $0x4000  }
0x2a: {  	[sflag:s20] =	ssyncset.done $0x0  }
0x2b: {  	s31 =	simm.s32 $0x1480;
	[sflag:s20] =	ssyncadd.s32 $0xFFFFC000  }
0x2c: {  	[spmem:s2] =	stream.indirect.scatter.add.f32 [tilespmem:s18], [sflag:$0x3], $0x80, s31, s16, $0xb8;
	[tilespmem:$0x1E800] =	vst v63  }
0x2d: {  	_ =	swait.ge [sflag:s14], $0x4000  }
0x2e: {  	[sflag:s14] =	ssyncset.done $0x0  }
0x2f: {  	s25 =	simm.s32 $0x180;
	s24 =	simm.s32 $0x400;
	[sflag:s14] =	ssyncadd.s32 $0xFFFFC000  }
.LBB2_2:
0x30: {  	[tilespmem:s18], [sflag:$0x2] =	stream.indirect.gather [hbm4b:s4+s16], $0x80, s25, s16, $0xb8;
	[tilespmem:$0x1E800] =	vst v63  }
0x31: {  	s25 =	smov.u32 s24  }
0x32: {  	p0 =	sne.s32 s24, $0x4800;
	s24 =	sadd.s32 $0x400, s24;
	_ =	swait.ge [sflag:s19], $0x4000  }
0x33: {  	s25 =	sshra.s32 s25, $0x2;
	[sflag:s19] =	ssyncset.done $0x0  }
0x34: {  	s26 =	sadd.s32 $0x1400, s25;
	[sflag:s19] =	ssyncadd.s32 $0xFFFFC000  }
0x35: {  	[spmem:s2] =	stream.indirect.scatter.add.f32 [tilespmem:s17], [sflag:$0x3], $0x80, s26, s16, $0xb8;
	[tilespmem:$0x1E800] =	vst v63  }
0x36: {  	_ =	swait.ge [sflag:s14], $0x4000  }
0x37: {  	[sflag:s14] =	ssyncset.done $0x0  }
0x38: {  	s26 =	sadd.s32 $0x100, s25;
	[sflag:s14] =	ssyncadd.s32 $0xFFFFC000  }
0x39: {  	[tilespmem:s17], [sflag:$0x1] =	stream.indirect.gather [hbm4b:s4+s16], $0x80, s26, s16, $0xb8;
	[tilespmem:$0x1E800] =	vst v63  }
0x3a: {  	_ =	swait.ge [sflag:s20], $0x4000  }
0x3b: {  	[sflag:s20] =	ssyncset.done $0x0  }
.Ltmp0:
0x3c: {  	s26 =	sadd.s32 $0x1480, s25;
	[sflag:s20] =	ssyncadd.s32 $0xFFFFC000;
	(pc) =	sbr.rel @p0 .LBB2_2-.Ltmp0, $4  }
0x3d: {  	[spmem:s2] =	stream.indirect.scatter.add.f32 [tilespmem:s18], [sflag:$0x3], $0x80, s26, s16, $0xb8;
	[tilespmem:$0x1E800] =	vst v63  }
0x3e: {  	_ =	swait.ge [sflag:s14], $0x4000  }
0x3f: {  	[sflag:s14] =	ssyncset.done $0x0  }
0x40: {  	s25 =	sadd.s32 $0x180, s25;
	[sflag:s14] =	ssyncadd.s32 $0xFFFFC000  }
0x41: {  	[tilespmem:s18], [sflag:$0x2] =	stream.indirect.gather [hbm4b:s4+s16], $0x80, s25, s16, $0xb8;
	[tilespmem:$0x1E800] =	vst v63  }
0x42: {  	_ =	swait.ge [sflag:s19], $0x4000  }
0x43: {  	[sflag:s19] =	ssyncset.done $0x0  }
0x44: {  	[sflag:s19] =	ssyncadd.s32 $0xFFFFC000  }
0x45: {  	[spmem:s2] =	stream.indirect.scatter.add.f32 [tilespmem:s17], [sflag:$0x3], $0x80, s21, s16, $0xb8;
	[tilespmem:$0x1E800] =	vst v63  }
0x46: {  	_ =	swait.ge [sflag:s14], $0x4000  }
0x47: {  	[sflag:s14] =	ssyncset.done $0x0  }
0x48: {  	[sflag:s14] =	ssyncadd.s32 $0xFFFFC000  }
0x49: {  	_ =	swait.ge [sflag:s20], $0x4000  }
0x4a: {  	[sflag:s20] =	ssyncset.done $0x0  }
0x4b: {  	[sflag:s20] =	ssyncadd.s32 $0xFFFFC000  }
0x4c: {  	[spmem:s2] =	stream.indirect.scatter.add.f32 [tilespmem:s18], [sflag:$0x3], $0x80, s22, s16, $0xb8;
	[tilespmem:$0x1E800] =	vst v63  }
0x4d: {  	_ =	swait.ge [sflag:s14], $0x4000  }
0x4e: {  	[sflag:s14] =	ssyncset.done $0x0  }
0x4f: {  	s24 =	simm.s32 $0x0;
	[sflag:s14] =	ssyncadd.s32 $0xFFFFC000  }
0x50: {  	[tilespmem:s24], [sflag:$0x3] =	stream.linear.gather [hbm4b:s9+s24], $0x1400, $0x38;
	[tilespmem:$0x1E800] =	vst v63  }
0x51: {  	_ =	swait.ge [sflag:s14], $0x1400  }
0x52: {  	[sflag:s14] =	ssyncset.done $0x0  }
0x53: {  	[sflag:s14] =	ssyncadd.s32 $0xFFFFEC00  }
0x54: {  	[tilespmem:s15], [sflag:$0x3] =	stream.linear.gather [hbm4b:s10+s24], $0x1400, $0x38;
	[tilespmem:$0x1E800] =	vst v63  }
0x55: {  	_ =	swait.ge [sflag:s14], $0x1400  }
0x56: {  	[sflag:s14] =	ssyncset.done $0x0  }
0x57: {  	[sflag:s14] =	ssyncadd.s32 $0xFFFFEC00  }
0x58: {  	[tilespmem:s17], [sflag:$0x1] =	stream.indirect.gather [hbm4b:s4+s16], $0x80, s24, s16, $0xb8;
	[tilespmem:$0x1E800] =	vst v63  }
0x59: {  	_ = 	snop  }
0x5a: {  	[tilespmem:s18], [sflag:$0x2] =	stream.indirect.gather [hbm4b:s4+s16], $0x80, s16, s16, $0xb8;
	[tilespmem:$0x1E800] =	vst v63  }
0x5b: {  	_ =	swait.ge [sflag:s19], $0x4000  }
0x5c: {  	[sflag:s19] =	ssyncset.done $0x0  }
0x5d: {  	s29 =	simm.s32 $0x1400;
	[sflag:s19] =	ssyncadd.s32 $0xFFFFC000  }
0x5e: {  	[spmem:s2] =	stream.indirect.scatter.add.f32 [tilespmem:s17], [sflag:$0x3], $0x80, s29, s16, $0xb8;
	[tilespmem:$0x1E800] =	vst v63  }
0x5f: {  	_ =	swait.ge [sflag:s14], $0x4000  }
0x60: {  	[sflag:s14] =	ssyncset.done $0x0  }
0x61: {  	s30 =	simm.s32 $0x100;
	[sflag:s14] =	ssyncadd.s32 $0xFFFFC000  }
0x62: {  	[tilespmem:s17], [sflag:$0x1] =	stream.indirect.gather [hbm4b:s4+s16], $0x80, s30, s16, $0xb8;
	[tilespmem:$0x1E800] =	vst v63  }
0x63: {  	_ =	swait.ge [sflag:s20], $0x4000  }
0x64: {  	[sflag:s20] =	ssyncset.done $0x0  }
0x65: {  	s31 =	simm.s32 $0x1480;
	[sflag:s20] =	ssyncadd.s32 $0xFFFFC000  }
0x66: {  	[spmem:s2] =	stream.indirect.scatter.add.f32 [tilespmem:s18], [sflag:$0x3], $0x80, s31, s16, $0xb8;
	[tilespmem:$0x1E800] =	vst v63  }
0x67: {  	_ =	swait.ge [sflag:s14], $0x4000  }
0x68: {  	[sflag:s14] =	ssyncset.done $0x0  }
0x69: {  	s25 =	simm.s32 $0x180;
	s24 =	simm.s32 $0x400;
	[sflag:s14] =	ssyncadd.s32 $0xFFFFC000  }
.LBB2_4:
0x6a: {  	[tilespmem:s18], [sflag:$0x2] =	stream.indirect.gather [hbm4b:s4+s16], $0x80, s25, s16, $0xb8;
	[tilespmem:$0x1E800] =	vst v63  }
0x6b: {  	s25 =	smov.u32 s24  }
0x6c: {  	p0 =	sne.s32 s24, $0x4800;
	s24 =	sadd.s32 $0x400, s24;
	_ =	swait.ge [sflag:s19], $0x4000  }
0x6d: {  	s25 =	sshra.s32 s25, $0x2;
	[sflag:s19] =	ssyncset.done $0x0  }
0x6e: {  	s26 =	sadd.s32 $0x1400, s25;
	[sflag:s19] =	ssyncadd.s32 $0xFFFFC000  }
0x6f: {  	[spmem:s2] =	stream.indirect.scatter.add.f32 [tilespmem:s17], [sflag:$0x3], $0x80, s26, s16, $0xb8;
	[tilespmem:$0x1E800] =	vst v63  }
0x70: {  	_ =	swait.ge [sflag:s14], $0x4000  }
0x71: {  	[sflag:s14] =	ssyncset.done $0x0  }
0x72: {  	s26 =	sadd.s32 $0x100, s25;
	[sflag:s14] =	ssyncadd.s32 $0xFFFFC000  }
0x73: {  	[tilespmem:s17], [sflag:$0x1] =	stream.indirect.gather [hbm4b:s4+s16], $0x80, s26, s16, $0xb8;
	[tilespmem:$0x1E800] =	vst v63  }
0x74: {  	_ =	swait.ge [sflag:s20], $0x4000  }
0x75: {  	[sflag:s20] =	ssyncset.done $0x0  }
.Ltmp1:
0x76: {  	s26 =	sadd.s32 $0x1480, s25;
	[sflag:s20] =	ssyncadd.s32 $0xFFFFC000;
	(pc) =	sbr.rel @p0 .LBB2_4-.Ltmp1, $4  }
0x77: {  	[spmem:s2] =	stream.indirect.scatter.add.f32 [tilespmem:s18], [sflag:$0x3], $0x80, s26, s16, $0xb8;
	[tilespmem:$0x1E800] =	vst v63  }
0x78: {  	_ =	swait.ge [sflag:s14], $0x4000  }
0x79: {  	[sflag:s14] =	ssyncset.done $0x0  }
0x7a: {  	s25 =	sadd.s32 $0x180, s25;
	[sflag:s14] =	ssyncadd.s32 $0xFFFFC000  }
0x7b: {  	[tilespmem:s18], [sflag:$0x2] =	stream.indirect.gather [hbm4b:s4+s16], $0x80, s25, s16, $0xb8;
	[tilespmem:$0x1E800] =	vst v63  }
0x7c: {  	_ =	swait.ge [sflag:s19], $0x4000  }
0x7d: {  	[sflag:s19] =	ssyncset.done $0x0  }
0x7e: {  	[sflag:s19] =	ssyncadd.s32 $0xFFFFC000  }
0x7f: {  	[spmem:s2] =	stream.indirect.scatter.add.f32 [tilespmem:s17], [sflag:$0x3], $0x80, s21, s16, $0xb8;
	[tilespmem:$0x1E800] =	vst v63  }
0x80: {  	_ =	swait.ge [sflag:s14], $0x4000  }
0x81: {  	[sflag:s14] =	ssyncset.done $0x0  }
0x82: {  	[sflag:s14] =	ssyncadd.s32 $0xFFFFC000  }
0x83: {  	_ =	swait.ge [sflag:s20], $0x4000  }
0x84: {  	[sflag:s20] =	ssyncset.done $0x0  }
0x85: {  	[sflag:s20] =	ssyncadd.s32 $0xFFFFC000  }
0x86: {  	[spmem:s2] =	stream.indirect.scatter.add.f32 [tilespmem:s18], [sflag:$0x3], $0x80, s22, s16, $0xb8;
	[tilespmem:$0x1E800] =	vst v63  }
0x87: {  	_ =	swait.ge [sflag:s14], $0x4000  }
0x88: {  	s23 =	sadd.s32 $0x1, s23;
	[sflag:s14] =	ssyncset.done $0x0  }
0x89: {  	p0 =	sne.s32 s23, s12;
	[sflag:s14] =	ssyncadd.s32 $0xFFFFC000  }
.Ltmp2:
0x8a: {  	[bflag:$0x0] =	sbarrier.arrive $0xFFFF;
	(pc) =	sbr.rel @p0 .LBB2_1-.Ltmp2, $4  }
0x8b: {  	[hbm:s11], [sflag:s6] =	dma.local [spmem:s13], $0x2800  }
0x8c: {  	_ =	swait.ge [sflag:s14], $0x2800  }
0x8d: {  	[sflag:s14] =	ssyncset.done $0x0  }
0x8e: {  	[sflag:s14] =	ssyncadd.s32 $0xFFFFD800  }
0x8f: {  	_ =	sfence.sel $0x180000  }
0x90: {  	[bflag:$0x0] =	sbarrier.arrive $0xFFFF  }
0x91: {  	p0 =	sne.s32 s0, $0x0;
	_ =	strace $0x9000004A  }
0x92: {  	s0 =	sadd.s32 @!p0 $0x100000, s1;
	[bflag:$0x2] =	sbarrier.arrive $0xFFFF  }
0x93: {  	[sflag:s0] =	ssyncadd.tile.s32 @!p0 $0x1;
	_ =	shalt  }
.Lfunc_end2:
_tile_overlayer_lowered:
.L_overlay_start_2:
0x94: {  	(tag) =	ssettag $0x2  }
0x95: {  	s0 =	rddreg [dreg:$0x0];
	s2 =	stileid.u32  }
0x96: {  	s1 =	rddreg [dreg:$0x1];
	p0 =	sne.s32 s2, $0x0  }
0x97: {  	s3 =	rddreg [dreg:$0x2];
	[bflag:$0x3] =	sbarrier.arrive $0xFFFF;
	s2 =	simm.s32 @!p0 $0x1C03  }
0x98: {  	[timem:s3], [sflag:s2] =	dma.local @!p0 [hbm:s0], s1  }
0x99: {  	s0 =	simm.s32 @!p0 $0x3  }
0x9a: {  	_ =	swait.ge @!p0 [sflag:s0], s1  }
0x9b: {  	s1 =	ssub.s32 @!p0 $0x0, s1;
	[sflag:s0] =	ssyncset.done @!p0 $0x0  }
0x9c: {  	[sflag:s0] =	ssyncadd.s32 @!p0 s1  }
0x9d: {  	[bflag:$0x3] =	sbarrier.arrive $0xFFFF  }
0x9e: {  	_ =	shalt  }

</sc_bundles>
